<compile_context>
chip_gen: v7x
topology: tpu7x:2x2x1
jax: 0.10.2.dev20260603
libtpu: 0.0.44.dev20260713+nightly
codegen_flags: <defaults>
</compile_context>

<pallas_src>
import functools

import jax
import jax.numpy as jnp
from jax import lax
from jax.experimental import pallas as pl
from jax.experimental.pallas import tpu as pltpu
from jax.experimental.pallas import tpu_sc as plsc

_NW = 32
_CHUNK = 128
_NBUF = 8
_H = 4


@functools.cache
def _make_gather(V, D, N):
    bpw = N // _NW
    nchunks = bpw // _CHUNK
    nsuper = nchunks // _NBUF
    mesh = plsc.VectorSubcoreMesh(core_axis_name="c", subcore_axis_name="s")

    @functools.partial(
        pl.kernel,
        out_type=jax.ShapeDtypeStruct((N, D), jnp.float32),
        mesh=mesh,
        compiler_params=pltpu.CompilerParams(use_tc_tiling_on_sc=False),
        scratch_types=[
            pltpu.VMEM((nchunks, _CHUNK), jnp.int32),
            pltpu.VMEM((_NBUF, _CHUNK, D), jnp.float32),
            [pltpu.SemaphoreType.DMA] * _NBUF,
            [pltpu.SemaphoreType.DMA] * _NBUF,
        ],
    )
    def gather_kernel(table, idx, out, idx_v, rows_v, gs, os):
        wid = lax.axis_index("s") * 2 + lax.axis_index("c")
        base = wid * bpw
        pltpu.sync_copy(idx.at[wid], idx_v)

        def gather_desc(j, b):
            return pltpu.make_async_copy(table.at[idx_v.at[j]], rows_v.at[b], gs[b])

        def write_desc(j, b):
            return pltpu.make_async_copy(
                rows_v.at[b], out.at[pl.ds(base + j * _CHUNK, _CHUNK)], os[b]
            )

        for j in range(_NBUF - _H):
            gather_desc(j, j % _NBUF).start()

        def super_body(sg, carry):
            for b in range(_NBUF):
                j = sg * _NBUF + b
                bw = (b - _H) % _NBUF
                jn = j - _H + _NBUF

                @pl.when(j >= _H)
                def _():
                    write_desc(j - _H, bw).wait()

                @pl.when(jn < nchunks)
                def _():
                    gather_desc(jn, bw).start()

                gather_desc(j, b).wait()
                write_desc(j, b).start()
            return carry

        lax.fori_loop(0, nsuper, super_body, 0)
        for j in range(nchunks - _H, nchunks):
            write_desc(j, j % _NBUF).wait()

    return gather_kernel


def kernel(ids, weight):
    B, F = ids.shape
    V, D = weight.shape
    N = B * F
    idx = ids.astype(jnp.int32).reshape(_NW, N // _NW // _CHUNK, _CHUNK)
    out = _make_gather(V, D, N)(weight, idx)
    return out.reshape(B, F, D)

# --- scband reference (transcript-rebuilt; emitter-appended) ---
"""Pipeline reference for scband-embedding-id-encoder-81372450390260 (READ-ONLY COPY).

The authoritative reference and input builder live on the scoring server;
editing this copy changes nothing except your own understanding.
"""

import jax, jax.numpy as jnp
import numpy as np

CAPACITY = 1000000
OUT_SIZE = 32
BATCH = 16384
FIELDS = 26

def _xavier_uniform(key, shape, dtype=jnp.float32):
    fan_in, fan_out = shape[0], shape[1]
    limit = float(np.sqrt(6.0 / (fan_in + fan_out)))
    return jax.random.uniform(key, shape, dtype=dtype, minval=-limit, maxval=limit)

def setup_inputs(seed: int = 0) -> dict:
    key = jax.random.key(seed)
    k_ids, k_w = jax.random.split(key)
    ids = jax.random.randint(k_ids, (BATCH, FIELDS), 0, CAPACITY, dtype=jnp.int64)
    weight = _xavier_uniform(k_w, (CAPACITY, OUT_SIZE))
    return {"ids": ids, "weight": weight}

def reference(ids, weight):
    # nn.Embedding forward: gather rows of the table by id
    return jnp.take(weight, ids, axis=0)

if __name__ == "__main__":
    import jax
    _d = setup_inputs()
    print(jax.jit(kernel)(*tuple(_d.values())))

</pallas_src>

<mosaic_0001>
#map = affine_map<(d0, d1) -> (0, 0)>
#map1 = affine_map<(d0, d1) -> (0, 0, 0)>
module attributes {stable_mosaic.version = 14 : i64} {
  func.func @gather_kernel(%arg0: i32, %arg1: i32, %arg2: memref<1000000x32xf32, #tpu.memory_space<hbm>>, %arg3: memref<32x104x128xi32, #tpu.memory_space<hbm>>, %arg4: memref<425984x32xf32, #tpu.memory_space<hbm>>, %arg5: memref<104x128xi32, #tpu.memory_space<vmem>>, %arg6: memref<8x128x32xf32, #tpu.memory_space<vmem>>, %arg7: memref<!tpu.dma_semaphore, #tpu.memory_space<semaphore_mem>>, %arg8: memref<!tpu.dma_semaphore, #tpu.memory_space<semaphore_mem>>, %arg9: memref<!tpu.dma_semaphore, #tpu.memory_space<semaphore_mem>>, %arg10: memref<!tpu.dma_semaphore, #tpu.memory_space<semaphore_mem>>, %arg11: memref<!tpu.dma_semaphore, #tpu.memory_space<semaphore_mem>>, %arg12: memref<!tpu.dma_semaphore, #tpu.memory_space<semaphore_mem>>, %arg13: memref<!tpu.dma_semaphore, #tpu.memory_space<semaphore_mem>>, %arg14: memref<!tpu.dma_semaphore, #tpu.memory_space<semaphore_mem>>, %arg15: memref<!tpu.dma_semaphore, #tpu.memory_space<semaphore_mem>>, %arg16: memref<!tpu.dma_semaphore, #tpu.memory_space<semaphore_mem>>, %arg17: memref<!tpu.dma_semaphore, #tpu.memory_space<semaphore_mem>>, %arg18: memref<!tpu.dma_semaphore, #tpu.memory_space<semaphore_mem>>, %arg19: memref<!tpu.dma_semaphore, #tpu.memory_space<semaphore_mem>>, %arg20: memref<!tpu.dma_semaphore, #tpu.memory_space<semaphore_mem>>, %arg21: memref<!tpu.dma_semaphore, #tpu.memory_space<semaphore_mem>>, %arg22: memref<!tpu.dma_semaphore, #tpu.memory_space<semaphore_mem>>) attributes {dimension_semantics = [#tpu.dimension_semantics<core_parallel>, #tpu.dimension_semantics<subcore_parallel>], iteration_bounds = array<i64: 2, 16>, scalar_prefetch = 0 : i64, scratch_operands = 18 : i64, tpu.core_type = #tpu.core_type<sc_vector_subcore>, window_params = [{transform_indices = #map}, {transform_indices = #map1}, {transform_indices = #map}]} {
    %mul3A = arith.constant 2 : i32
    %mul3A_0 = arith.muli %arg1, %mul3A : i32
    %add3A = arith.addi %mul3A_0, %arg0 : i32
    %mul3A_1 = arith.constant 13312 : i32
    %mul3A_2 = arith.muli %add3A, %mul3A_1 : i32
    "tpu.region"() ({
      %run_scoped3A = tpu.sem_alloc : memref<!tpu.dma_semaphore, #tpu.memory_space<semaphore_mem>>
      %dma_start3A_114 = arith.constant 0 : i32
      %dma_start3A_115 = arith.constant 0 : i32
      %dma_start3A_116 = tpu.memref_slice %arg3[%add3A, %dma_start3A_114, %dma_start3A_115] : memref<32x104x128xi32, #tpu.memory_space<hbm>> -> memref<1x104x128xi32, #tpu.memory_space<hbm>>
      %dma_start3A_117 = tpu.memref_squeeze %dma_start3A_116 : memref<1x104x128xi32, #tpu.memory_space<hbm>> -> memref<104x128xi32, #tpu.memory_space<hbm>>
      %dma_start3A_118 = arith.constant 0 : i32
      %dma_start3A_119 = arith.constant 0 : i32
      %dma_start3A_120 = tpu.memref_slice %arg3[%add3A, %dma_start3A_118, %dma_start3A_119] : memref<32x104x128xi32, #tpu.memory_space<hbm>> -> memref<1x104x128xi32, #tpu.memory_space<hbm>>
      %dma_start3A_121 = tpu.memref_squeeze %dma_start3A_120 : memref<1x104x128xi32, #tpu.memory_space<hbm>> -> memref<104x128xi32, #tpu.memory_space<hbm>>
      tpu.enqueue_dma source(%dma_start3A_121 : memref<104x128xi32, #tpu.memory_space<hbm>>) target(%arg5 : memref<104x128xi32, #tpu.memory_space<vmem>>) target_semaphore(%run_scoped3A : memref<!tpu.dma_semaphore, #tpu.memory_space<semaphore_mem>>)
      %dma_wait3A_122 = arith.constant 0 : i32
      %dma_wait3A_123 = arith.constant 0 : i32
      %dma_wait3A_124 = tpu.memref_slice %arg3[%add3A, %dma_wait3A_122, %dma_wait3A_123] : memref<32x104x128xi32, #tpu.memory_space<hbm>> -> memref<1x104x128xi32, #tpu.memory_space<hbm>>
      %dma_wait3A_125 = tpu.memref_squeeze %dma_wait3A_124 : memref<1x104x128xi32, #tpu.memory_space<hbm>> -> memref<104x128xi32, #tpu.memory_space<hbm>>
      %dma_wait3A_126 = arith.constant 0 : i32
      %dma_wait3A_127 = arith.constant 0 : i32
      %dma_wait3A_128 = tpu.memref_slice %arg3[%add3A, %dma_wait3A_126, %dma_wait3A_127] : memref<32x104x128xi32, #tpu.memory_space<hbm>> -> memref<1x104x128xi32, #tpu.memory_space<hbm>>
      %dma_wait3A_129 = tpu.memref_squeeze %dma_wait3A_128 : memref<1x104x128xi32, #tpu.memory_space<hbm>> -> memref<104x128xi32, #tpu.memory_space<hbm>>
      tpu.wait_dma2 semaphore(%run_scoped3A : memref<!tpu.dma_semaphore, #tpu.memory_space<semaphore_mem>>) src(%dma_wait3A_129 : memref<104x128xi32, #tpu.memory_space<hbm>>) dst(%arg5 : memref<104x128xi32, #tpu.memory_space<vmem>>)
      tpu.yield
    }) : () -> ()
    %dma_start3A = arith.constant 0 : i32
    %dma_start3A_3 = arith.constant 0 : i32
    %dma_start3A_4 = arith.constant 0 : i32
    %dma_start3A_5 = arith.constant 0 : i32
    %dma_start3A_6 = tpu.memref_slice %arg6[%dma_start3A_3, %dma_start3A_4, %dma_start3A_5] : memref<8x128x32xf32, #tpu.memory_space<vmem>> -> memref<1x128x32xf32, #tpu.memory_space<vmem>>
    %dma_start3A_7 = tpu.memref_squeeze %dma_start3A_6 : memref<1x128x32xf32, #tpu.memory_space<vmem>> -> memref<128x32xf32, #tpu.memory_space<vmem>>
    %dma_start3A_8 = arith.constant 0 : i32
    %dma_start3A_9 = tpu.memref_slice %arg5[%dma_start3A, %dma_start3A_8] : memref<104x128xi32, #tpu.memory_space<vmem>> -> memref<1x128xi32, #tpu.memory_space<vmem>>
    %dma_start3A_10 = tpu.memref_squeeze %dma_start3A_9 : memref<1x128xi32, #tpu.memory_space<vmem>> -> memref<128xi32, #tpu.memory_space<vmem>>
    %dma_start3A_11 = arith.constant 0 : i32
    %dma_start3A_12 = arith.constant 0 : i32
    %dma_start3A_13 = tpu.memref_slice %arg2[%dma_start3A_11, %dma_start3A_12] : memref<1000000x32xf32, #tpu.memory_space<hbm>> -> memref<1000000x32xf32, #tpu.memory_space<hbm>>
    tpu.enqueue_indirect_dma source(%dma_start3A_13 : memref<1000000x32xf32, #tpu.memory_space<hbm>>) target(%dma_start3A_7 : memref<128x32xf32, #tpu.memory_space<vmem>>) offsets(%dma_start3A_10 : memref<128xi32, #tpu.memory_space<vmem>>) semaphore(%arg7 : memref<!tpu.dma_semaphore, #tpu.memory_space<semaphore_mem>>)
    %dma_start3A_14 = arith.constant 1 : i32
    %dma_start3A_15 = arith.constant 1 : i32
    %dma_start3A_16 = arith.constant 0 : i32
    %dma_start3A_17 = arith.constant 0 : i32
    %dma_start3A_18 = tpu.memref_slice %arg6[%dma_start3A_15, %dma_start3A_16, %dma_start3A_17] : memref<8x128x32xf32, #tpu.memory_space<vmem>> -> memref<1x128x32xf32, #tpu.memory_space<vmem>>
    %dma_start3A_19 = tpu.memref_squeeze %dma_start3A_18 : memref<1x128x32xf32, #tpu.memory_space<vmem>> -> memref<128x32xf32, #tpu.memory_space<vmem>>
    %dma_start3A_20 = arith.constant 0 : i32
    %dma_start3A_21 = tpu.memref_slice %arg5[%dma_start3A_14, %dma_start3A_20] : memref<104x128xi32, #tpu.memory_space<vmem>> -> memref<1x128xi32, #tpu.memory_space<vmem>>
    %dma_start3A_22 = tpu.memref_squeeze %dma_start3A_21 : memref<1x128xi32, #tpu.memory_space<vmem>> -> memref<128xi32, #tpu.memory_space<vmem>>
    %dma_start3A_23 = arith.constant 0 : i32
    %dma_start3A_24 = arith.constant 0 : i32
    %dma_start3A_25 = tpu.memref_slice %arg2[%dma_start3A_23, %dma_start3A_24] : memref<1000000x32xf32, #tpu.memory_space<hbm>> -> memref<1000000x32xf32, #tpu.memory_space<hbm>>
    tpu.enqueue_indirect_dma source(%dma_start3A_25 : memref<1000000x32xf32, #tpu.memory_space<hbm>>) target(%dma_start3A_19 : memref<128x32xf32, #tpu.memory_space<vmem>>) offsets(%dma_start3A_22 : memref<128xi32, #tpu.memory_space<vmem>>) semaphore(%arg8 : memref<!tpu.dma_semaphore, #tpu.memory_space<semaphore_mem>>)
    %dma_start3A_26 = arith.constant 2 : i32
    %dma_start3A_27 = arith.constant 2 : i32
    %dma_start3A_28 = arith.constant 0 : i32
    %dma_start3A_29 = arith.constant 0 : i32
    %dma_start3A_30 = tpu.memref_slice %arg6[%dma_start3A_27, %dma_start3A_28, %dma_start3A_29] : memref<8x128x32xf32, #tpu.memory_space<vmem>> -> memref<1x128x32xf32, #tpu.memory_space<vmem>>
    %dma_start3A_31 = tpu.memref_squeeze %dma_start3A_30 : memref<1x128x32xf32, #tpu.memory_space<vmem>> -> memref<128x32xf32, #tpu.memory_space<vmem>>
    %dma_start3A_32 = arith.constant 0 : i32
    %dma_start3A_33 = tpu.memref_slice %arg5[%dma_start3A_26, %dma_start3A_32] : memref<104x128xi32, #tpu.memory_space<vmem>> -> memref<1x128xi32, #tpu.memory_space<vmem>>
    %dma_start3A_34 = tpu.memref_squeeze %dma_start3A_33 : memref<1x128xi32, #tpu.memory_space<vmem>> -> memref<128xi32, #tpu.memory_space<vmem>>
    %dma_start3A_35 = arith.constant 0 : i32
    %dma_start3A_36 = arith.constant 0 : i32
    %dma_start3A_37 = tpu.memref_slice %arg2[%dma_start3A_35, %dma_start3A_36] : memref<1000000x32xf32, #tpu.memory_space<hbm>> -> memref<1000000x32xf32, #tpu.memory_space<hbm>>
    tpu.enqueue_indirect_dma source(%dma_start3A_37 : memref<1000000x32xf32, #tpu.memory_space<hbm>>) target(%dma_start3A_31 : memref<128x32xf32, #tpu.memory_space<vmem>>) offsets(%dma_start3A_34 : memref<128xi32, #tpu.memory_space<vmem>>) semaphore(%arg9 : memref<!tpu.dma_semaphore, #tpu.memory_space<semaphore_mem>>)
    %dma_start3A_38 = arith.constant 3 : i32
    %dma_start3A_39 = arith.constant 3 : i32
    %dma_start3A_40 = arith.constant 0 : i32
    %dma_start3A_41 = arith.constant 0 : i32
    %dma_start3A_42 = tpu.memref_slice %arg6[%dma_start3A_39, %dma_start3A_40, %dma_start3A_41] : memref<8x128x32xf32, #tpu.memory_space<vmem>> -> memref<1x128x32xf32, #tpu.memory_space<vmem>>
    %dma_start3A_43 = tpu.memref_squeeze %dma_start3A_42 : memref<1x128x32xf32, #tpu.memory_space<vmem>> -> memref<128x32xf32, #tpu.memory_space<vmem>>
    %dma_start3A_44 = arith.constant 0 : i32
    %dma_start3A_45 = tpu.memref_slice %arg5[%dma_start3A_38, %dma_start3A_44] : memref<104x128xi32, #tpu.memory_space<vmem>> -> memref<1x128xi32, #tpu.memory_space<vmem>>
    %dma_start3A_46 = tpu.memref_squeeze %dma_start3A_45 : memref<1x128xi32, #tpu.memory_space<vmem>> -> memref<128xi32, #tpu.memory_space<vmem>>
    %dma_start3A_47 = arith.constant 0 : i32
    %dma_start3A_48 = arith.constant 0 : i32
    %dma_start3A_49 = tpu.memref_slice %arg2[%dma_start3A_47, %dma_start3A_48] : memref<1000000x32xf32, #tpu.memory_space<hbm>> -> memref<1000000x32xf32, #tpu.memory_space<hbm>>
    tpu.enqueue_indirect_dma source(%dma_start3A_49 : memref<1000000x32xf32, #tpu.memory_space<hbm>>) target(%dma_start3A_43 : memref<128x32xf32, #tpu.memory_space<vmem>>) offsets(%dma_start3A_46 : memref<128xi32, #tpu.memory_space<vmem>>) semaphore(%arg10 : memref<!tpu.dma_semaphore, #tpu.memory_space<semaphore_mem>>)
    %scan3A = arith.constant 0 : i32
    %scan3A_50 = arith.constant 0 : i32
    %scan3A_51 = arith.constant 13 : i32
    %scan3A_52 = arith.addi %scan3A_50, %scan3A_51 : i32
    %scan3A_53 = arith.constant 1 : i32
    scf.for %scan3A_114 = %scan3A_50 to %scan3A_52 step %scan3A_53  : i32 {
      %mul3A_115 = arith.constant 8 : i32
      %mul3A_116 = arith.muli %scan3A_114, %mul3A_115 : i32
      %add3A_117 = arith.constant 0 : i32
      %add3A_118 = arith.addi %mul3A_116, %add3A_117 : i32
      %sub3A = arith.constant 4 : i32
      %sub3A_119 = arith.subi %add3A_118, %sub3A : i32
      %add3A_120 = arith.constant 8 : i32
      %add3A_121 = arith.addi %sub3A_119, %add3A_120 : i32
      %ge3A = arith.constant 4 : i32
      %ge3A_122 = arith.cmpi sge, %add3A_118, %ge3A : i32
      %convert_element_type3A = arith.extui %ge3A_122 : i1 to i32
      %cond3A = arith.constant 0 : i32
      %cond3A_123 = arith.cmpi ne, %convert_element_type3A, %cond3A : i32
      scf.if %cond3A_123 {
        %sub3A_470 = arith.constant 4 : i32
        %sub3A_471 = arith.subi %add3A_118, %sub3A_470 : i32
        %mul3A_472 = arith.constant 128 : i32
        %mul3A_473 = arith.muli %sub3A_471, %mul3A_472 : i32
        %add3A_474 = arith.addi %mul3A_2, %mul3A_473 : i32
        %dma_wait3A_475 = arith.constant 4 : i32
        %dma_wait3A_476 = arith.constant 0 : i32
        %dma_wait3A_477 = arith.constant 0 : i32
        %dma_wait3A_478 = tpu.memref_slice %arg6[%dma_wait3A_475, %dma_wait3A_476, %dma_wait3A_477] : memref<8x128x32xf32, #tpu.memory_space<vmem>> -> memref<1x128x32xf32, #tpu.memory_space<vmem>>
        %dma_wait3A_479 = tpu.memref_squeeze %dma_wait3A_478 : memref<1x128x32xf32, #tpu.memory_space<vmem>> -> memref<128x32xf32, #tpu.memory_space<vmem>>
        %dma_wait3A_480 = arith.constant 0 : i32
        %dma_wait3A_481 = tpu.memref_slice %arg4[%add3A_474, %dma_wait3A_480] : memref<425984x32xf32, #tpu.memory_space<hbm>> -> memref<128x32xf32, #tpu.memory_space<hbm>>
        %dma_wait3A_482 = arith.constant 0 : i32
        %dma_wait3A_483 = tpu.memref_slice %arg4[%add3A_474, %dma_wait3A_482] : memref<425984x32xf32, #tpu.memory_space<hbm>> -> memref<128x32xf32, #tpu.memory_space<hbm>>
        %dma_wait3A_484 = arith.constant 0 : i32
        %dma_wait3A_485 = arith.constant 0 : i32
        %dma_wait3A_486 = tpu.memref_slice %arg6[%dma_wait3A_475, %dma_wait3A_484, %dma_wait3A_485] : memref<8x128x32xf32, #tpu.memory_space<vmem>> -> memref<1x128x32xf32, #tpu.memory_space<vmem>>
        %dma_wait3A_487 = tpu.memref_squeeze %dma_wait3A_486 : memref<1x128x32xf32, #tpu.memory_space<vmem>> -> memref<128x32xf32, #tpu.memory_space<vmem>>
        tpu.wait_dma2 semaphore(%arg19 : memref<!tpu.dma_semaphore, #tpu.memory_space<semaphore_mem>>) src(%dma_wait3A_487 : memref<128x32xf32, #tpu.memory_space<vmem>>) dst(%dma_wait3A_483 : memref<128x32xf32, #tpu.memory_space<hbm>>)
      } else {
      }
      %lt3A = arith.constant 104 : i32
      %lt3A_124 = arith.cmpi slt, %add3A_121, %lt3A : i32
      %convert_element_type3A_125 = arith.extui %lt3A_124 : i1 to i32
      %cond3A_126 = arith.constant 0 : i32
      %cond3A_127 = arith.cmpi ne, %convert_element_type3A_125, %cond3A_126 : i32
      scf.if %cond3A_127 {
        %dma_start3A_470 = arith.constant 4 : i32
        %dma_start3A_471 = arith.constant 0 : i32
        %dma_start3A_472 = arith.constant 0 : i32
        %dma_start3A_473 = tpu.memref_slice %arg6[%dma_start3A_470, %dma_start3A_471, %dma_start3A_472] : memref<8x128x32xf32, #tpu.memory_space<vmem>> -> memref<1x128x32xf32, #tpu.memory_space<vmem>>
        %dma_start3A_474 = tpu.memref_squeeze %dma_start3A_473 : memref<1x128x32xf32, #tpu.memory_space<vmem>> -> memref<128x32xf32, #tpu.memory_space<vmem>>
        %dma_start3A_475 = arith.constant 0 : i32
        %dma_start3A_476 = tpu.memref_slice %arg5[%add3A_121, %dma_start3A_475] : memref<104x128xi32, #tpu.memory_space<vmem>> -> memref<1x128xi32, #tpu.memory_space<vmem>>
        %dma_start3A_477 = tpu.memref_squeeze %dma_start3A_476 : memref<1x128xi32, #tpu.memory_space<vmem>> -> memref<128xi32, #tpu.memory_space<vmem>>
        %dma_start3A_478 = arith.constant 0 : i32
        %dma_start3A_479 = arith.constant 0 : i32
        %dma_start3A_480 = tpu.memref_slice %arg2[%dma_start3A_478, %dma_start3A_479] : memref<1000000x32xf32, #tpu.memory_space<hbm>> -> memref<1000000x32xf32, #tpu.memory_space<hbm>>
        tpu.enqueue_indirect_dma source(%dma_start3A_480 : memref<1000000x32xf32, #tpu.memory_space<hbm>>) target(%dma_start3A_474 : memref<128x32xf32, #tpu.memory_space<vmem>>) offsets(%dma_start3A_477 : memref<128xi32, #tpu.memory_space<vmem>>) semaphore(%arg11 : memref<!tpu.dma_semaphore, #tpu.memory_space<semaphore_mem>>)
      } else {
      }
      %dma_wait3A_128 = arith.constant 0 : i32
      %dma_wait3A_129 = arith.constant 0 : i32
      %dma_wait3A_130 = arith.constant 0 : i32
      %dma_wait3A_131 = tpu.memref_slice %arg6[%dma_wait3A_128, %dma_wait3A_129, %dma_wait3A_130] : memref<8x128x32xf32, #tpu.memory_space<vmem>> -> memref<1x128x32xf32, #tpu.memory_space<vmem>>
      %dma_wait3A_132 = tpu.memref_squeeze %dma_wait3A_131 : memref<1x128x32xf32, #tpu.memory_space<vmem>> -> memref<128x32xf32, #tpu.memory_space<vmem>>
      %dma_wait3A_133 = arith.constant 0 : i32
      %dma_wait3A_134 = tpu.memref_slice %arg5[%add3A_118, %dma_wait3A_133] : memref<104x128xi32, #tpu.memory_space<vmem>> -> memref<1x128xi32, #tpu.memory_space<vmem>>
      %dma_wait3A_135 = tpu.memref_squeeze %dma_wait3A_134 : memref<1x128xi32, #tpu.memory_space<vmem>> -> memref<128xi32, #tpu.memory_space<vmem>>
      %dma_wait3A_136 = arith.constant 0 : i32
      %dma_wait3A_137 = arith.constant 0 : i32
      %dma_wait3A_138 = tpu.memref_slice %arg2[%dma_wait3A_136, %dma_wait3A_137] : memref<1000000x32xf32, #tpu.memory_space<hbm>> -> memref<1000000x32xf32, #tpu.memory_space<hbm>>
      tpu.wait_indirect_dma semaphore(%arg7 : memref<!tpu.dma_semaphore, #tpu.memory_space<semaphore_mem>>) src(%dma_wait3A_138 : memref<1000000x32xf32, #tpu.memory_space<hbm>>) dst(%dma_wait3A_132 : memref<128x32xf32, #tpu.memory_space<vmem>>)
      %mul3A_139 = arith.constant 128 : i32
      %mul3A_140 = arith.muli %add3A_118, %mul3A_139 : i32
      %add3A_141 = arith.addi %mul3A_2, %mul3A_140 : i32
      %dma_start3A_142 = arith.constant 0 : i32
      %dma_start3A_143 = arith.constant 0 : i32
      %dma_start3A_144 = arith.constant 0 : i32
      %dma_start3A_145 = tpu.memref_slice %arg6[%dma_start3A_142, %dma_start3A_143, %dma_start3A_144] : memref<8x128x32xf32, #tpu.memory_space<vmem>> -> memref<1x128x32xf32, #tpu.memory_space<vmem>>
      %dma_start3A_146 = tpu.memref_squeeze %dma_start3A_145 : memref<1x128x32xf32, #tpu.memory_space<vmem>> -> memref<128x32xf32, #tpu.memory_space<vmem>>
      %dma_start3A_147 = arith.constant 0 : i32
      %dma_start3A_148 = tpu.memref_slice %arg4[%add3A_141, %dma_start3A_147] : memref<425984x32xf32, #tpu.memory_space<hbm>> -> memref<128x32xf32, #tpu.memory_space<hbm>>
      %dma_start3A_149 = arith.constant 0 : i32
      %dma_start3A_150 = tpu.memref_slice %arg4[%add3A_141, %dma_start3A_149] : memref<425984x32xf32, #tpu.memory_space<hbm>> -> memref<128x32xf32, #tpu.memory_space<hbm>>
      %dma_start3A_151 = arith.constant 0 : i32
      %dma_start3A_152 = arith.constant 0 : i32
      %dma_start3A_153 = tpu.memref_slice %arg6[%dma_start3A_142, %dma_start3A_151, %dma_start3A_152] : memref<8x128x32xf32, #tpu.memory_space<vmem>> -> memref<1x128x32xf32, #tpu.memory_space<vmem>>
      %dma_start3A_154 = tpu.memref_squeeze %dma_start3A_153 : memref<1x128x32xf32, #tpu.memory_space<vmem>> -> memref<128x32xf32, #tpu.memory_space<vmem>>
      tpu.enqueue_dma source(%dma_start3A_154 : memref<128x32xf32, #tpu.memory_space<vmem>>) target(%dma_start3A_150 : memref<128x32xf32, #tpu.memory_space<hbm>>) target_semaphore(%arg15 : memref<!tpu.dma_semaphore, #tpu.memory_space<semaphore_mem>>)
      %mul3A_155 = arith.constant 8 : i32
      %mul3A_156 = arith.muli %scan3A_114, %mul3A_155 : i32
      %add3A_157 = arith.constant 1 : i32
      %add3A_158 = arith.addi %mul3A_156, %add3A_157 : i32
      %sub3A_159 = arith.constant 4 : i32
      %sub3A_160 = arith.subi %add3A_158, %sub3A_159 : i32
      %add3A_161 = arith.constant 8 : i32
      %add3A_162 = arith.addi %sub3A_160, %add3A_161 : i32
      %ge3A_163 = arith.constant 4 : i32
      %ge3A_164 = arith.cmpi sge, %add3A_158, %ge3A_163 : i32
      %convert_element_type3A_165 = arith.extui %ge3A_164 : i1 to i32
      %cond3A_166 = arith.constant 0 : i32
      %cond3A_167 = arith.cmpi ne, %convert_element_type3A_165, %cond3A_166 : i32
      scf.if %cond3A_167 {
        %sub3A_470 = arith.constant 4 : i32
        %sub3A_471 = arith.subi %add3A_158, %sub3A_470 : i32
        %mul3A_472 = arith.constant 128 : i32
        %mul3A_473 = arith.muli %sub3A_471, %mul3A_472 : i32
        %add3A_474 = arith.addi %mul3A_2, %mul3A_473 : i32
        %dma_wait3A_475 = arith.constant 5 : i32
        %dma_wait3A_476 = arith.constant 0 : i32
        %dma_wait3A_477 = arith.constant 0 : i32
        %dma_wait3A_478 = tpu.memref_slice %arg6[%dma_wait3A_475, %dma_wait3A_476, %dma_wait3A_477] : memref<8x128x32xf32, #tpu.memory_space<vmem>> -> memref<1x128x32xf32, #tpu.memory_space<vmem>>
        %dma_wait3A_479 = tpu.memref_squeeze %dma_wait3A_478 : memref<1x128x32xf32, #tpu.memory_space<vmem>> -> memref<128x32xf32, #tpu.memory_space<vmem>>
        %dma_wait3A_480 = arith.constant 0 : i32
        %dma_wait3A_481 = tpu.memref_slice %arg4[%add3A_474, %dma_wait3A_480] : memref<425984x32xf32, #tpu.memory_space<hbm>> -> memref<128x32xf32, #tpu.memory_space<hbm>>
        %dma_wait3A_482 = arith.constant 0 : i32
        %dma_wait3A_483 = tpu.memref_slice %arg4[%add3A_474, %dma_wait3A_482] : memref<425984x32xf32, #tpu.memory_space<hbm>> -> memref<128x32xf32, #tpu.memory_space<hbm>>
        %dma_wait3A_484 = arith.constant 0 : i32
        %dma_wait3A_485 = arith.constant 0 : i32
        %dma_wait3A_486 = tpu.memref_slice %arg6[%dma_wait3A_475, %dma_wait3A_484, %dma_wait3A_485] : memref<8x128x32xf32, #tpu.memory_space<vmem>> -> memref<1x128x32xf32, #tpu.memory_space<vmem>>
        %dma_wait3A_487 = tpu.memref_squeeze %dma_wait3A_486 : memref<1x128x32xf32, #tpu.memory_space<vmem>> -> memref<128x32xf32, #tpu.memory_space<vmem>>
        tpu.wait_dma2 semaphore(%arg20 : memref<!tpu.dma_semaphore, #tpu.memory_space<semaphore_mem>>) src(%dma_wait3A_487 : memref<128x32xf32, #tpu.memory_space<vmem>>) dst(%dma_wait3A_483 : memref<128x32xf32, #tpu.memory_space<hbm>>)
      } else {
      }
      %lt3A_168 = arith.constant 104 : i32
      %lt3A_169 = arith.cmpi slt, %add3A_162, %lt3A_168 : i32
      %convert_element_type3A_170 = arith.extui %lt3A_169 : i1 to i32
      %cond3A_171 = arith.constant 0 : i32
      %cond3A_172 = arith.cmpi ne, %convert_element_type3A_170, %cond3A_171 : i32
      scf.if %cond3A_172 {
        %dma_start3A_470 = arith.constant 5 : i32
        %dma_start3A_471 = arith.constant 0 : i32
        %dma_start3A_472 = arith.constant 0 : i32
        %dma_start3A_473 = tpu.memref_slice %arg6[%dma_start3A_470, %dma_start3A_471, %dma_start3A_472] : memref<8x128x32xf32, #tpu.memory_space<vmem>> -> memref<1x128x32xf32, #tpu.memory_space<vmem>>
        %dma_start3A_474 = tpu.memref_squeeze %dma_start3A_473 : memref<1x128x32xf32, #tpu.memory_space<vmem>> -> memref<128x32xf32, #tpu.memory_space<vmem>>
        %dma_start3A_475 = arith.constant 0 : i32
        %dma_start3A_476 = tpu.memref_slice %arg5[%add3A_162, %dma_start3A_475] : memref<104x128xi32, #tpu.memory_space<vmem>> -> memref<1x128xi32, #tpu.memory_space<vmem>>
        %dma_start3A_477 = tpu.memref_squeeze %dma_start3A_476 : memref<1x128xi32, #tpu.memory_space<vmem>> -> memref<128xi32, #tpu.memory_space<vmem>>
        %dma_start3A_478 = arith.constant 0 : i32
        %dma_start3A_479 = arith.constant 0 : i32
        %dma_start3A_480 = tpu.memref_slice %arg2[%dma_start3A_478, %dma_start3A_479] : memref<1000000x32xf32, #tpu.memory_space<hbm>> -> memref<1000000x32xf32, #tpu.memory_space<hbm>>
        tpu.enqueue_indirect_dma source(%dma_start3A_480 : memref<1000000x32xf32, #tpu.memory_space<hbm>>) target(%dma_start3A_474 : memref<128x32xf32, #tpu.memory_space<vmem>>) offsets(%dma_start3A_477 : memref<128xi32, #tpu.memory_space<vmem>>) semaphore(%arg12 : memref<!tpu.dma_semaphore, #tpu.memory_space<semaphore_mem>>)
      } else {
      }
      %dma_wait3A_173 = arith.constant 1 : i32
      %dma_wait3A_174 = arith.constant 0 : i32
      %dma_wait3A_175 = arith.constant 0 : i32
      %dma_wait3A_176 = tpu.memref_slice %arg6[%dma_wait3A_173, %dma_wait3A_174, %dma_wait3A_175] : memref<8x128x32xf32, #tpu.memory_space<vmem>> -> memref<1x128x32xf32, #tpu.memory_space<vmem>>
      %dma_wait3A_177 = tpu.memref_squeeze %dma_wait3A_176 : memref<1x128x32xf32, #tpu.memory_space<vmem>> -> memref<128x32xf32, #tpu.memory_space<vmem>>
      %dma_wait3A_178 = arith.constant 0 : i32
      %dma_wait3A_179 = tpu.memref_slice %arg5[%add3A_158, %dma_wait3A_178] : memref<104x128xi32, #tpu.memory_space<vmem>> -> memref<1x128xi32, #tpu.memory_space<vmem>>
      %dma_wait3A_180 = tpu.memref_squeeze %dma_wait3A_179 : memref<1x128xi32, #tpu.memory_space<vmem>> -> memref<128xi32, #tpu.memory_space<vmem>>
      %dma_wait3A_181 = arith.constant 0 : i32
      %dma_wait3A_182 = arith.constant 0 : i32
      %dma_wait3A_183 = tpu.memref_slice %arg2[%dma_wait3A_181, %dma_wait3A_182] : memref<1000000x32xf32, #tpu.memory_space<hbm>> -> memref<1000000x32xf32, #tpu.memory_space<hbm>>
      tpu.wait_indirect_dma semaphore(%arg8 : memref<!tpu.dma_semaphore, #tpu.memory_space<semaphore_mem>>) src(%dma_wait3A_183 : memref<1000000x32xf32, #tpu.memory_space<hbm>>) dst(%dma_wait3A_177 : memref<128x32xf32, #tpu.memory_space<vmem>>)
      %mul3A_184 = arith.constant 128 : i32
      %mul3A_185 = arith.muli %add3A_158, %mul3A_184 : i32
      %add3A_186 = arith.addi %mul3A_2, %mul3A_185 : i32
      %dma_start3A_187 = arith.constant 1 : i32
      %dma_start3A_188 = arith.constant 0 : i32
      %dma_start3A_189 = arith.constant 0 : i32
      %dma_start3A_190 = tpu.memref_slice %arg6[%dma_start3A_187, %dma_start3A_188, %dma_start3A_189] : memref<8x128x32xf32, #tpu.memory_space<vmem>> -> memref<1x128x32xf32, #tpu.memory_space<vmem>>
      %dma_start3A_191 = tpu.memref_squeeze %dma_start3A_190 : memref<1x128x32xf32, #tpu.memory_space<vmem>> -> memref<128x32xf32, #tpu.memory_space<vmem>>
      %dma_start3A_192 = arith.constant 0 : i32
      %dma_start3A_193 = tpu.memref_slice %arg4[%add3A_186, %dma_start3A_192] : memref<425984x32xf32, #tpu.memory_space<hbm>> -> memref<128x32xf32, #tpu.memory_space<hbm>>
      %dma_start3A_194 = arith.constant 0 : i32
      %dma_start3A_195 = tpu.memref_slice %arg4[%add3A_186, %dma_start3A_194] : memref<425984x32xf32, #tpu.memory_space<hbm>> -> memref<128x32xf32, #tpu.memory_space<hbm>>
      %dma_start3A_196 = arith.constant 0 : i32
      %dma_start3A_197 = arith.constant 0 : i32
      %dma_start3A_198 = tpu.memref_slice %arg6[%dma_start3A_187, %dma_start3A_196, %dma_start3A_197] : memref<8x128x32xf32, #tpu.memory_space<vmem>> -> memref<1x128x32xf32, #tpu.memory_space<vmem>>
      %dma_start3A_199 = tpu.memref_squeeze %dma_start3A_198 : memref<1x128x32xf32, #tpu.memory_space<vmem>> -> memref<128x32xf32, #tpu.memory_space<vmem>>
      tpu.enqueue_dma source(%dma_start3A_199 : memref<128x32xf32, #tpu.memory_space<vmem>>) target(%dma_start3A_195 : memref<128x32xf32, #tpu.memory_space<hbm>>) target_semaphore(%arg16 : memref<!tpu.dma_semaphore, #tpu.memory_space<semaphore_mem>>)
      %mul3A_200 = arith.constant 8 : i32
      %mul3A_201 = arith.muli %scan3A_114, %mul3A_200 : i32
      %add3A_202 = arith.constant 2 : i32
      %add3A_203 = arith.addi %mul3A_201, %add3A_202 : i32
      %sub3A_204 = arith.constant 4 : i32
      %sub3A_205 = arith.subi %add3A_203, %sub3A_204 : i32
      %add3A_206 = arith.constant 8 : i32
      %add3A_207 = arith.addi %sub3A_205, %add3A_206 : i32
      %ge3A_208 = arith.constant 4 : i32
      %ge3A_209 = arith.cmpi sge, %add3A_203, %ge3A_208 : i32
      %convert_element_type3A_210 = arith.extui %ge3A_209 : i1 to i32
      %cond3A_211 = arith.constant 0 : i32
      %cond3A_212 = arith.cmpi ne, %convert_element_type3A_210, %cond3A_211 : i32
      scf.if %cond3A_212 {
        %sub3A_470 = arith.constant 4 : i32
        %sub3A_471 = arith.subi %add3A_203, %sub3A_470 : i32
        %mul3A_472 = arith.constant 128 : i32
        %mul3A_473 = arith.muli %sub3A_471, %mul3A_472 : i32
        %add3A_474 = arith.addi %mul3A_2, %mul3A_473 : i32
        %dma_wait3A_475 = arith.constant 6 : i32
        %dma_wait3A_476 = arith.constant 0 : i32
        %dma_wait3A_477 = arith.constant 0 : i32
        %dma_wait3A_478 = tpu.memref_slice %arg6[%dma_wait3A_475, %dma_wait3A_476, %dma_wait3A_477] : memref<8x128x32xf32, #tpu.memory_space<vmem>> -> memref<1x128x32xf32, #tpu.memory_space<vmem>>
        %dma_wait3A_479 = tpu.memref_squeeze %dma_wait3A_478 : memref<1x128x32xf32, #tpu.memory_space<vmem>> -> memref<128x32xf32, #tpu.memory_space<vmem>>
        %dma_wait3A_480 = arith.constant 0 : i32
        %dma_wait3A_481 = tpu.memref_slice %arg4[%add3A_474, %dma_wait3A_480] : memref<425984x32xf32, #tpu.memory_space<hbm>> -> memref<128x32xf32, #tpu.memory_space<hbm>>
        %dma_wait3A_482 = arith.constant 0 : i32
        %dma_wait3A_483 = tpu.memref_slice %arg4[%add3A_474, %dma_wait3A_482] : memref<425984x32xf32, #tpu.memory_space<hbm>> -> memref<128x32xf32, #tpu.memory_space<hbm>>
        %dma_wait3A_484 = arith.constant 0 : i32
        %dma_wait3A_485 = arith.constant 0 : i32
        %dma_wait3A_486 = tpu.memref_slice %arg6[%dma_wait3A_475, %dma_wait3A_484, %dma_wait3A_485] : memref<8x128x32xf32, #tpu.memory_space<vmem>> -> memref<1x128x32xf32, #tpu.memory_space<vmem>>
        %dma_wait3A_487 = tpu.memref_squeeze %dma_wait3A_486 : memref<1x128x32xf32, #tpu.memory_space<vmem>> -> memref<128x32xf32, #tpu.memory_space<vmem>>
        tpu.wait_dma2 semaphore(%arg21 : memref<!tpu.dma_semaphore, #tpu.memory_space<semaphore_mem>>) src(%dma_wait3A_487 : memref<128x32xf32, #tpu.memory_space<vmem>>) dst(%dma_wait3A_483 : memref<128x32xf32, #tpu.memory_space<hbm>>)
      } else {
      }
      %lt3A_213 = arith.constant 104 : i32
      %lt3A_214 = arith.cmpi slt, %add3A_207, %lt3A_213 : i32
      %convert_element_type3A_215 = arith.extui %lt3A_214 : i1 to i32
      %cond3A_216 = arith.constant 0 : i32
      %cond3A_217 = arith.cmpi ne, %convert_element_type3A_215, %cond3A_216 : i32
      scf.if %cond3A_217 {
        %dma_start3A_470 = arith.constant 6 : i32
        %dma_start3A_471 = arith.constant 0 : i32
        %dma_start3A_472 = arith.constant 0 : i32
        %dma_start3A_473 = tpu.memref_slice %arg6[%dma_start3A_470, %dma_start3A_471, %dma_start3A_472] : memref<8x128x32xf32, #tpu.memory_space<vmem>> -> memref<1x128x32xf32, #tpu.memory_space<vmem>>
        %dma_start3A_474 = tpu.memref_squeeze %dma_start3A_473 : memref<1x128x32xf32, #tpu.memory_space<vmem>> -> memref<128x32xf32, #tpu.memory_space<vmem>>
        %dma_start3A_475 = arith.constant 0 : i32
        %dma_start3A_476 = tpu.memref_slice %arg5[%add3A_207, %dma_start3A_475] : memref<104x128xi32, #tpu.memory_space<vmem>> -> memref<1x128xi32, #tpu.memory_space<vmem>>
        %dma_start3A_477 = tpu.memref_squeeze %dma_start3A_476 : memref<1x128xi32, #tpu.memory_space<vmem>> -> memref<128xi32, #tpu.memory_space<vmem>>
        %dma_start3A_478 = arith.constant 0 : i32
        %dma_start3A_479 = arith.constant 0 : i32
        %dma_start3A_480 = tpu.memref_slice %arg2[%dma_start3A_478, %dma_start3A_479] : memref<1000000x32xf32, #tpu.memory_space<hbm>> -> memref<1000000x32xf32, #tpu.memory_space<hbm>>
        tpu.enqueue_indirect_dma source(%dma_start3A_480 : memref<1000000x32xf32, #tpu.memory_space<hbm>>) target(%dma_start3A_474 : memref<128x32xf32, #tpu.memory_space<vmem>>) offsets(%dma_start3A_477 : memref<128xi32, #tpu.memory_space<vmem>>) semaphore(%arg13 : memref<!tpu.dma_semaphore, #tpu.memory_space<semaphore_mem>>)
      } else {
      }
      %dma_wait3A_218 = arith.constant 2 : i32
      %dma_wait3A_219 = arith.constant 0 : i32
      %dma_wait3A_220 = arith.constant 0 : i32
      %dma_wait3A_221 = tpu.memref_slice %arg6[%dma_wait3A_218, %dma_wait3A_219, %dma_wait3A_220] : memref<8x128x32xf32, #tpu.memory_space<vmem>> -> memref<1x128x32xf32, #tpu.memory_space<vmem>>
      %dma_wait3A_222 = tpu.memref_squeeze %dma_wait3A_221 : memref<1x128x32xf32, #tpu.memory_space<vmem>> -> memref<128x32xf32, #tpu.memory_space<vmem>>
      %dma_wait3A_223 = arith.constant 0 : i32
      %dma_wait3A_224 = tpu.memref_slice %arg5[%add3A_203, %dma_wait3A_223] : memref<104x128xi32, #tpu.memory_space<vmem>> -> memref<1x128xi32, #tpu.memory_space<vmem>>
      %dma_wait3A_225 = tpu.memref_squeeze %dma_wait3A_224 : memref<1x128xi32, #tpu.memory_space<vmem>> -> memref<128xi32, #tpu.memory_space<vmem>>
      %dma_wait3A_226 = arith.constant 0 : i32
      %dma_wait3A_227 = arith.constant 0 : i32
      %dma_wait3A_228 = tpu.memref_slice %arg2[%dma_wait3A_226, %dma_wait3A_227] : memref<1000000x32xf32, #tpu.memory_space<hbm>> -> memref<1000000x32xf32, #tpu.memory_space<hbm>>
      tpu.wait_indirect_dma semaphore(%arg9 : memref<!tpu.dma_semaphore, #tpu.memory_space<semaphore_mem>>) src(%dma_wait3A_228 : memref<1000000x32xf32, #tpu.memory_space<hbm>>) dst(%dma_wait3A_222 : memref<128x32xf32, #tpu.memory_space<vmem>>)
      %mul3A_229 = arith.constant 128 : i32
      %mul3A_230 = arith.muli %add3A_203, %mul3A_229 : i32
      %add3A_231 = arith.addi %mul3A_2, %mul3A_230 : i32
      %dma_start3A_232 = arith.constant 2 : i32
      %dma_start3A_233 = arith.constant 0 : i32
      %dma_start3A_234 = arith.constant 0 : i32
      %dma_start3A_235 = tpu.memref_slice %arg6[%dma_start3A_232, %dma_start3A_233, %dma_start3A_234] : memref<8x128x32xf32, #tpu.memory_space<vmem>> -> memref<1x128x32xf32, #tpu.memory_space<vmem>>
      %dma_start3A_236 = tpu.memref_squeeze %dma_start3A_235 : memref<1x128x32xf32, #tpu.memory_space<vmem>> -> memref<128x32xf32, #tpu.memory_space<vmem>>
      %dma_start3A_237 = arith.constant 0 : i32
      %dma_start3A_238 = tpu.memref_slice %arg4[%add3A_231, %dma_start3A_237] : memref<425984x32xf32, #tpu.memory_space<hbm>> -> memref<128x32xf32, #tpu.memory_space<hbm>>
      %dma_start3A_239 = arith.constant 0 : i32
      %dma_start3A_240 = tpu.memref_slice %arg4[%add3A_231, %dma_start3A_239] : memref<425984x32xf32, #tpu.memory_space<hbm>> -> memref<128x32xf32, #tpu.memory_space<hbm>>
      %dma_start3A_241 = arith.constant 0 : i32
      %dma_start3A_242 = arith.constant 0 : i32
      %dma_start3A_243 = tpu.memref_slice %arg6[%dma_start3A_232, %dma_start3A_241, %dma_start3A_242] : memref<8x128x32xf32, #tpu.memory_space<vmem>> -> memref<1x128x32xf32, #tpu.memory_space<vmem>>
      %dma_start3A_244 = tpu.memref_squeeze %dma_start3A_243 : memref<1x128x32xf32, #tpu.memory_space<vmem>> -> memref<128x32xf32, #tpu.memory_space<vmem>>
      tpu.enqueue_dma source(%dma_start3A_244 : memref<128x32xf32, #tpu.memory_space<vmem>>) target(%dma_start3A_240 : memref<128x32xf32, #tpu.memory_space<hbm>>) target_semaphore(%arg17 : memref<!tpu.dma_semaphore, #tpu.memory_space<semaphore_mem>>)
      %mul3A_245 = arith.constant 8 : i32
      %mul3A_246 = arith.muli %scan3A_114, %mul3A_245 : i32
      %add3A_247 = arith.constant 3 : i32
      %add3A_248 = arith.addi %mul3A_246, %add3A_247 : i32
      %sub3A_249 = arith.constant 4 : i32
      %sub3A_250 = arith.subi %add3A_248, %sub3A_249 : i32
      %add3A_251 = arith.constant 8 : i32
      %add3A_252 = arith.addi %sub3A_250, %add3A_251 : i32
      %ge3A_253 = arith.constant 4 : i32
      %ge3A_254 = arith.cmpi sge, %add3A_248, %ge3A_253 : i32
      %convert_element_type3A_255 = arith.extui %ge3A_254 : i1 to i32
      %cond3A_256 = arith.constant 0 : i32
      %cond3A_257 = arith.cmpi ne, %convert_element_type3A_255, %cond3A_256 : i32
      scf.if %cond3A_257 {
        %sub3A_470 = arith.constant 4 : i32
        %sub3A_471 = arith.subi %add3A_248, %sub3A_470 : i32
        %mul3A_472 = arith.constant 128 : i32
        %mul3A_473 = arith.muli %sub3A_471, %mul3A_472 : i32
        %add3A_474 = arith.addi %mul3A_2, %mul3A_473 : i32
        %dma_wait3A_475 = arith.constant 7 : i32
        %dma_wait3A_476 = arith.constant 0 : i32
        %dma_wait3A_477 = arith.constant 0 : i32
        %dma_wait3A_478 = tpu.memref_slice %arg6[%dma_wait3A_475, %dma_wait3A_476, %dma_wait3A_477] : memref<8x128x32xf32, #tpu.memory_space<vmem>> -> memref<1x128x32xf32, #tpu.memory_space<vmem>>
        %dma_wait3A_479 = tpu.memref_squeeze %dma_wait3A_478 : memref<1x128x32xf32, #tpu.memory_space<vmem>> -> memref<128x32xf32, #tpu.memory_space<vmem>>
        %dma_wait3A_480 = arith.constant 0 : i32
        %dma_wait3A_481 = tpu.memref_slice %arg4[%add3A_474, %dma_wait3A_480] : memref<425984x32xf32, #tpu.memory_space<hbm>> -> memref<128x32xf32, #tpu.memory_space<hbm>>
        %dma_wait3A_482 = arith.constant 0 : i32
        %dma_wait3A_483 = tpu.memref_slice %arg4[%add3A_474, %dma_wait3A_482] : memref<425984x32xf32, #tpu.memory_space<hbm>> -> memref<128x32xf32, #tpu.memory_space<hbm>>
        %dma_wait3A_484 = arith.constant 0 : i32
        %dma_wait3A_485 = arith.constant 0 : i32
        %dma_wait3A_486 = tpu.memref_slice %arg6[%dma_wait3A_475, %dma_wait3A_484, %dma_wait3A_485] : memref<8x128x32xf32, #tpu.memory_space<vmem>> -> memref<1x128x32xf32, #tpu.memory_space<vmem>>
        %dma_wait3A_487 = tpu.memref_squeeze %dma_wait3A_486 : memref<1x128x32xf32, #tpu.memory_space<vmem>> -> memref<128x32xf32, #tpu.memory_space<vmem>>
        tpu.wait_dma2 semaphore(%arg22 : memref<!tpu.dma_semaphore, #tpu.memory_space<semaphore_mem>>) src(%dma_wait3A_487 : memref<128x32xf32, #tpu.memory_space<vmem>>) dst(%dma_wait3A_483 : memref<128x32xf32, #tpu.memory_space<hbm>>)
      } else {
      }
      %lt3A_258 = arith.constant 104 : i32
      %lt3A_259 = arith.cmpi slt, %add3A_252, %lt3A_258 : i32
      %convert_element_type3A_260 = arith.extui %lt3A_259 : i1 to i32
      %cond3A_261 = arith.constant 0 : i32
      %cond3A_262 = arith.cmpi ne, %convert_element_type3A_260, %cond3A_261 : i32
      scf.if %cond3A_262 {
        %dma_start3A_470 = arith.constant 7 : i32
        %dma_start3A_471 = arith.constant 0 : i32
        %dma_start3A_472 = arith.constant 0 : i32
        %dma_start3A_473 = tpu.memref_slice %arg6[%dma_start3A_470, %dma_start3A_471, %dma_start3A_472] : memref<8x128x32xf32, #tpu.memory_space<vmem>> -> memref<1x128x32xf32, #tpu.memory_space<vmem>>
        %dma_start3A_474 = tpu.memref_squeeze %dma_start3A_473 : memref<1x128x32xf32, #tpu.memory_space<vmem>> -> memref<128x32xf32, #tpu.memory_space<vmem>>
        %dma_start3A_475 = arith.constant 0 : i32
        %dma_start3A_476 = tpu.memref_slice %arg5[%add3A_252, %dma_start3A_475] : memref<104x128xi32, #tpu.memory_space<vmem>> -> memref<1x128xi32, #tpu.memory_space<vmem>>
        %dma_start3A_477 = tpu.memref_squeeze %dma_start3A_476 : memref<1x128xi32, #tpu.memory_space<vmem>> -> memref<128xi32, #tpu.memory_space<vmem>>
        %dma_start3A_478 = arith.constant 0 : i32
        %dma_start3A_479 = arith.constant 0 : i32
        %dma_start3A_480 = tpu.memref_slice %arg2[%dma_start3A_478, %dma_start3A_479] : memref<1000000x32xf32, #tpu.memory_space<hbm>> -> memref<1000000x32xf32, #tpu.memory_space<hbm>>
        tpu.enqueue_indirect_dma source(%dma_start3A_480 : memref<1000000x32xf32, #tpu.memory_space<hbm>>) target(%dma_start3A_474 : memref<128x32xf32, #tpu.memory_space<vmem>>) offsets(%dma_start3A_477 : memref<128xi32, #tpu.memory_space<vmem>>) semaphore(%arg14 : memref<!tpu.dma_semaphore, #tpu.memory_space<semaphore_mem>>)
      } else {
      }
      %dma_wait3A_263 = arith.constant 3 : i32
      %dma_wait3A_264 = arith.constant 0 : i32
      %dma_wait3A_265 = arith.constant 0 : i32
      %dma_wait3A_266 = tpu.memref_slice %arg6[%dma_wait3A_263, %dma_wait3A_264, %dma_wait3A_265] : memref<8x128x32xf32, #tpu.memory_space<vmem>> -> memref<1x128x32xf32, #tpu.memory_space<vmem>>
      %dma_wait3A_267 = tpu.memref_squeeze %dma_wait3A_266 : memref<1x128x32xf32, #tpu.memory_space<vmem>> -> memref<128x32xf32, #tpu.memory_space<vmem>>
      %dma_wait3A_268 = arith.constant 0 : i32
      %dma_wait3A_269 = tpu.memref_slice %arg5[%add3A_248, %dma_wait3A_268] : memref<104x128xi32, #tpu.memory_space<vmem>> -> memref<1x128xi32, #tpu.memory_space<vmem>>
      %dma_wait3A_270 = tpu.memref_squeeze %dma_wait3A_269 : memref<1x128xi32, #tpu.memory_space<vmem>> -> memref<128xi32, #tpu.memory_space<vmem>>
      %dma_wait3A_271 = arith.constant 0 : i32
      %dma_wait3A_272 = arith.constant 0 : i32
      %dma_wait3A_273 = tpu.memref_slice %arg2[%dma_wait3A_271, %dma_wait3A_272] : memref<1000000x32xf32, #tpu.memory_space<hbm>> -> memref<1000000x32xf32, #tpu.memory_space<hbm>>
      tpu.wait_indirect_dma semaphore(%arg10 : memref<!tpu.dma_semaphore, #tpu.memory_space<semaphore_mem>>) src(%dma_wait3A_273 : memref<1000000x32xf32, #tpu.memory_space<hbm>>) dst(%dma_wait3A_267 : memref<128x32xf32, #tpu.memory_space<vmem>>)
      %mul3A_274 = arith.constant 128 : i32
      %mul3A_275 = arith.muli %add3A_248, %mul3A_274 : i32
      %add3A_276 = arith.addi %mul3A_2, %mul3A_275 : i32
      %dma_start3A_277 = arith.constant 3 : i32
      %dma_start3A_278 = arith.constant 0 : i32
      %dma_start3A_279 = arith.constant 0 : i32
      %dma_start3A_280 = tpu.memref_slice %arg6[%dma_start3A_277, %dma_start3A_278, %dma_start3A_279] : memref<8x128x32xf32, #tpu.memory_space<vmem>> -> memref<1x128x32xf32, #tpu.memory_space<vmem>>
      %dma_start3A_281 = tpu.memref_squeeze %dma_start3A_280 : memref<1x128x32xf32, #tpu.memory_space<vmem>> -> memref<128x32xf32, #tpu.memory_space<vmem>>
      %dma_start3A_282 = arith.constant 0 : i32
      %dma_start3A_283 = tpu.memref_slice %arg4[%add3A_276, %dma_start3A_282] : memref<425984x32xf32, #tpu.memory_space<hbm>> -> memref<128x32xf32, #tpu.memory_space<hbm>>
      %dma_start3A_284 = arith.constant 0 : i32
      %dma_start3A_285 = tpu.memref_slice %arg4[%add3A_276, %dma_start3A_284] : memref<425984x32xf32, #tpu.memory_space<hbm>> -> memref<128x32xf32, #tpu.memory_space<hbm>>
      %dma_start3A_286 = arith.constant 0 : i32
      %dma_start3A_287 = arith.constant 0 : i32
      %dma_start3A_288 = tpu.memref_slice %arg6[%dma_start3A_277, %dma_start3A_286, %dma_start3A_287] : memref<8x128x32xf32, #tpu.memory_space<vmem>> -> memref<1x128x32xf32, #tpu.memory_space<vmem>>
      %dma_start3A_289 = tpu.memref_squeeze %dma_start3A_288 : memref<1x128x32xf32, #tpu.memory_space<vmem>> -> memref<128x32xf32, #tpu.memory_space<vmem>>
      tpu.enqueue_dma source(%dma_start3A_289 : memref<128x32xf32, #tpu.memory_space<vmem>>) target(%dma_start3A_285 : memref<128x32xf32, #tpu.memory_space<hbm>>) target_semaphore(%arg18 : memref<!tpu.dma_semaphore, #tpu.memory_space<semaphore_mem>>)
      %mul3A_290 = arith.constant 8 : i32
      %mul3A_291 = arith.muli %scan3A_114, %mul3A_290 : i32
      %add3A_292 = arith.constant 4 : i32
      %add3A_293 = arith.addi %mul3A_291, %add3A_292 : i32
      %sub3A_294 = arith.constant 4 : i32
      %sub3A_295 = arith.subi %add3A_293, %sub3A_294 : i32
      %add3A_296 = arith.constant 8 : i32
      %add3A_297 = arith.addi %sub3A_295, %add3A_296 : i32
      %ge3A_298 = arith.constant 4 : i32
      %ge3A_299 = arith.cmpi sge, %add3A_293, %ge3A_298 : i32
      %convert_element_type3A_300 = arith.extui %ge3A_299 : i1 to i32
      %cond3A_301 = arith.constant 0 : i32
      %cond3A_302 = arith.cmpi ne, %convert_element_type3A_300, %cond3A_301 : i32
      scf.if %cond3A_302 {
        %sub3A_470 = arith.constant 4 : i32
        %sub3A_471 = arith.subi %add3A_293, %sub3A_470 : i32
        %mul3A_472 = arith.constant 128 : i32
        %mul3A_473 = arith.muli %sub3A_471, %mul3A_472 : i32
        %add3A_474 = arith.addi %mul3A_2, %mul3A_473 : i32
        %dma_wait3A_475 = arith.constant 0 : i32
        %dma_wait3A_476 = arith.constant 0 : i32
        %dma_wait3A_477 = arith.constant 0 : i32
        %dma_wait3A_478 = tpu.memref_slice %arg6[%dma_wait3A_475, %dma_wait3A_476, %dma_wait3A_477] : memref<8x128x32xf32, #tpu.memory_space<vmem>> -> memref<1x128x32xf32, #tpu.memory_space<vmem>>
        %dma_wait3A_479 = tpu.memref_squeeze %dma_wait3A_478 : memref<1x128x32xf32, #tpu.memory_space<vmem>> -> memref<128x32xf32, #tpu.memory_space<vmem>>
        %dma_wait3A_480 = arith.constant 0 : i32
        %dma_wait3A_481 = tpu.memref_slice %arg4[%add3A_474, %dma_wait3A_480] : memref<425984x32xf32, #tpu.memory_space<hbm>> -> memref<128x32xf32, #tpu.memory_space<hbm>>
        %dma_wait3A_482 = arith.constant 0 : i32
        %dma_wait3A_483 = tpu.memref_slice %arg4[%add3A_474, %dma_wait3A_482] : memref<425984x32xf32, #tpu.memory_space<hbm>> -> memref<128x32xf32, #tpu.memory_space<hbm>>
        %dma_wait3A_484 = arith.constant 0 : i32
        %dma_wait3A_485 = arith.constant 0 : i32
        %dma_wait3A_486 = tpu.memref_slice %arg6[%dma_wait3A_475, %dma_wait3A_484, %dma_wait3A_485] : memref<8x128x32xf32, #tpu.memory_space<vmem>> -> memref<1x128x32xf32, #tpu.memory_space<vmem>>
        %dma_wait3A_487 = tpu.memref_squeeze %dma_wait3A_486 : memref<1x128x32xf32, #tpu.memory_space<vmem>> -> memref<128x32xf32, #tpu.memory_space<vmem>>
        tpu.wait_dma2 semaphore(%arg15 : memref<!tpu.dma_semaphore, #tpu.memory_space<semaphore_mem>>) src(%dma_wait3A_487 : memref<128x32xf32, #tpu.memory_space<vmem>>) dst(%dma_wait3A_483 : memref<128x32xf32, #tpu.memory_space<hbm>>)
      } else {
      }
      %lt3A_303 = arith.constant 104 : i32
      %lt3A_304 = arith.cmpi slt, %add3A_297, %lt3A_303 : i32
      %convert_element_type3A_305 = arith.extui %lt3A_304 : i1 to i32
      %cond3A_306 = arith.constant 0 : i32
      %cond3A_307 = arith.cmpi ne, %convert_element_type3A_305, %cond3A_306 : i32
      scf.if %cond3A_307 {
        %dma_start3A_470 = arith.constant 0 : i32
        %dma_start3A_471 = arith.constant 0 : i32
        %dma_start3A_472 = arith.constant 0 : i32
        %dma_start3A_473 = tpu.memref_slice %arg6[%dma_start3A_470, %dma_start3A_471, %dma_start3A_472] : memref<8x128x32xf32, #tpu.memory_space<vmem>> -> memref<1x128x32xf32, #tpu.memory_space<vmem>>
        %dma_start3A_474 = tpu.memref_squeeze %dma_start3A_473 : memref<1x128x32xf32, #tpu.memory_space<vmem>> -> memref<128x32xf32, #tpu.memory_space<vmem>>
        %dma_start3A_475 = arith.constant 0 : i32
        %dma_start3A_476 = tpu.memref_slice %arg5[%add3A_297, %dma_start3A_475] : memref<104x128xi32, #tpu.memory_space<vmem>> -> memref<1x128xi32, #tpu.memory_space<vmem>>
        %dma_start3A_477 = tpu.memref_squeeze %dma_start3A_476 : memref<1x128xi32, #tpu.memory_space<vmem>> -> memref<128xi32, #tpu.memory_space<vmem>>
        %dma_start3A_478 = arith.constant 0 : i32
        %dma_start3A_479 = arith.constant 0 : i32
        %dma_start3A_480 = tpu.memref_slice %arg2[%dma_start3A_478, %dma_start3A_479] : memref<1000000x32xf32, #tpu.memory_space<hbm>> -> memref<1000000x32xf32, #tpu.memory_space<hbm>>
        tpu.enqueue_indirect_dma source(%dma_start3A_480 : memref<1000000x32xf32, #tpu.memory_space<hbm>>) target(%dma_start3A_474 : memref<128x32xf32, #tpu.memory_space<vmem>>) offsets(%dma_start3A_477 : memref<128xi32, #tpu.memory_space<vmem>>) semaphore(%arg7 : memref<!tpu.dma_semaphore, #tpu.memory_space<semaphore_mem>>)
      } else {
      }
      %dma_wait3A_308 = arith.constant 4 : i32
      %dma_wait3A_309 = arith.constant 0 : i32
      %dma_wait3A_310 = arith.constant 0 : i32
      %dma_wait3A_311 = tpu.memref_slice %arg6[%dma_wait3A_308, %dma_wait3A_309, %dma_wait3A_310] : memref<8x128x32xf32, #tpu.memory_space<vmem>> -> memref<1x128x32xf32, #tpu.memory_space<vmem>>
      %dma_wait3A_312 = tpu.memref_squeeze %dma_wait3A_311 : memref<1x128x32xf32, #tpu.memory_space<vmem>> -> memref<128x32xf32, #tpu.memory_space<vmem>>
      %dma_wait3A_313 = arith.constant 0 : i32
      %dma_wait3A_314 = tpu.memref_slice %arg5[%add3A_293, %dma_wait3A_313] : memref<104x128xi32, #tpu.memory_space<vmem>> -> memref<1x128xi32, #tpu.memory_space<vmem>>
      %dma_wait3A_315 = tpu.memref_squeeze %dma_wait3A_314 : memref<1x128xi32, #tpu.memory_space<vmem>> -> memref<128xi32, #tpu.memory_space<vmem>>
      %dma_wait3A_316 = arith.constant 0 : i32
      %dma_wait3A_317 = arith.constant 0 : i32
      %dma_wait3A_318 = tpu.memref_slice %arg2[%dma_wait3A_316, %dma_wait3A_317] : memref<1000000x32xf32, #tpu.memory_space<hbm>> -> memref<1000000x32xf32, #tpu.memory_space<hbm>>
      tpu.wait_indirect_dma semaphore(%arg11 : memref<!tpu.dma_semaphore, #tpu.memory_space<semaphore_mem>>) src(%dma_wait3A_318 : memref<1000000x32xf32, #tpu.memory_space<hbm>>) dst(%dma_wait3A_312 : memref<128x32xf32, #tpu.memory_space<vmem>>)
      %mul3A_319 = arith.constant 128 : i32
      %mul3A_320 = arith.muli %add3A_293, %mul3A_319 : i32
      %add3A_321 = arith.addi %mul3A_2, %mul3A_320 : i32
      %dma_start3A_322 = arith.constant 4 : i32
      %dma_start3A_323 = arith.constant 0 : i32
      %dma_start3A_324 = arith.constant 0 : i32
      %dma_start3A_325 = tpu.memref_slice %arg6[%dma_start3A_322, %dma_start3A_323, %dma_start3A_324] : memref<8x128x32xf32, #tpu.memory_space<vmem>> -> memref<1x128x32xf32, #tpu.memory_space<vmem>>
      %dma_start3A_326 = tpu.memref_squeeze %dma_start3A_325 : memref<1x128x32xf32, #tpu.memory_space<vmem>> -> memref<128x32xf32, #tpu.memory_space<vmem>>
      %dma_start3A_327 = arith.constant 0 : i32
      %dma_start3A_328 = tpu.memref_slice %arg4[%add3A_321, %dma_start3A_327] : memref<425984x32xf32, #tpu.memory_space<hbm>> -> memref<128x32xf32, #tpu.memory_space<hbm>>
      %dma_start3A_329 = arith.constant 0 : i32
      %dma_start3A_330 = tpu.memref_slice %arg4[%add3A_321, %dma_start3A_329] : memref<425984x32xf32, #tpu.memory_space<hbm>> -> memref<128x32xf32, #tpu.memory_space<hbm>>
      %dma_start3A_331 = arith.constant 0 : i32
      %dma_start3A_332 = arith.constant 0 : i32
      %dma_start3A_333 = tpu.memref_slice %arg6[%dma_start3A_322, %dma_start3A_331, %dma_start3A_332] : memref<8x128x32xf32, #tpu.memory_space<vmem>> -> memref<1x128x32xf32, #tpu.memory_space<vmem>>
      %dma_start3A_334 = tpu.memref_squeeze %dma_start3A_333 : memref<1x128x32xf32, #tpu.memory_space<vmem>> -> memref<128x32xf32, #tpu.memory_space<vmem>>
      tpu.enqueue_dma source(%dma_start3A_334 : memref<128x32xf32, #tpu.memory_space<vmem>>) target(%dma_start3A_330 : memref<128x32xf32, #tpu.memory_space<hbm>>) target_semaphore(%arg19 : memref<!tpu.dma_semaphore, #tpu.memory_space<semaphore_mem>>)
      %mul3A_335 = arith.constant 8 : i32
      %mul3A_336 = arith.muli %scan3A_114, %mul3A_335 : i32
      %add3A_337 = arith.constant 5 : i32
      %add3A_338 = arith.addi %mul3A_336, %add3A_337 : i32
      %sub3A_339 = arith.constant 4 : i32
      %sub3A_340 = arith.subi %add3A_338, %sub3A_339 : i32
      %add3A_341 = arith.constant 8 : i32
      %add3A_342 = arith.addi %sub3A_340, %add3A_341 : i32
      %ge3A_343 = arith.constant 4 : i32
      %ge3A_344 = arith.cmpi sge, %add3A_338, %ge3A_343 : i32
      %convert_element_type3A_345 = arith.extui %ge3A_344 : i1 to i32
      %cond3A_346 = arith.constant 0 : i32
      %cond3A_347 = arith.cmpi ne, %convert_element_type3A_345, %cond3A_346 : i32
      scf.if %cond3A_347 {
        %sub3A_470 = arith.constant 4 : i32
        %sub3A_471 = arith.subi %add3A_338, %sub3A_470 : i32
        %mul3A_472 = arith.constant 128 : i32
        %mul3A_473 = arith.muli %sub3A_471, %mul3A_472 : i32
        %add3A_474 = arith.addi %mul3A_2, %mul3A_473 : i32
        %dma_wait3A_475 = arith.constant 1 : i32
        %dma_wait3A_476 = arith.constant 0 : i32
        %dma_wait3A_477 = arith.constant 0 : i32
        %dma_wait3A_478 = tpu.memref_slice %arg6[%dma_wait3A_475, %dma_wait3A_476, %dma_wait3A_477] : memref<8x128x32xf32, #tpu.memory_space<vmem>> -> memref<1x128x32xf32, #tpu.memory_space<vmem>>
        %dma_wait3A_479 = tpu.memref_squeeze %dma_wait3A_478 : memref<1x128x32xf32, #tpu.memory_space<vmem>> -> memref<128x32xf32, #tpu.memory_space<vmem>>
        %dma_wait3A_480 = arith.constant 0 : i32
        %dma_wait3A_481 = tpu.memref_slice %arg4[%add3A_474, %dma_wait3A_480] : memref<425984x32xf32, #tpu.memory_space<hbm>> -> memref<128x32xf32, #tpu.memory_space<hbm>>
        %dma_wait3A_482 = arith.constant 0 : i32
        %dma_wait3A_483 = tpu.memref_slice %arg4[%add3A_474, %dma_wait3A_482] : memref<425984x32xf32, #tpu.memory_space<hbm>> -> memref<128x32xf32, #tpu.memory_space<hbm>>
        %dma_wait3A_484 = arith.constant 0 : i32
        %dma_wait3A_485 = arith.constant 0 : i32
        %dma_wait3A_486 = tpu.memref_slice %arg6[%dma_wait3A_475, %dma_wait3A_484, %dma_wait3A_485] : memref<8x128x32xf32, #tpu.memory_space<vmem>> -> memref<1x128x32xf32, #tpu.memory_space<vmem>>
        %dma_wait3A_487 = tpu.memref_squeeze %dma_wait3A_486 : memref<1x128x32xf32, #tpu.memory_space<vmem>> -> memref<128x32xf32, #tpu.memory_space<vmem>>
        tpu.wait_dma2 semaphore(%arg16 : memref<!tpu.dma_semaphore, #tpu.memory_space<semaphore_mem>>) src(%dma_wait3A_487 : memref<128x32xf32, #tpu.memory_space<vmem>>) dst(%dma_wait3A_483 : memref<128x32xf32, #tpu.memory_space<hbm>>)
      } else {
      }
      %lt3A_348 = arith.constant 104 : i32
      %lt3A_349 = arith.cmpi slt, %add3A_342, %lt3A_348 : i32
      %convert_element_type3A_350 = arith.extui %lt3A_349 : i1 to i32
      %cond3A_351 = arith.constant 0 : i32
      %cond3A_352 = arith.cmpi ne, %convert_element_type3A_350, %cond3A_351 : i32
      scf.if %cond3A_352 {
        %dma_start3A_470 = arith.constant 1 : i32
        %dma_start3A_471 = arith.constant 0 : i32
        %dma_start3A_472 = arith.constant 0 : i32
        %dma_start3A_473 = tpu.memref_slice %arg6[%dma_start3A_470, %dma_start3A_471, %dma_start3A_472] : memref<8x128x32xf32, #tpu.memory_space<vmem>> -> memref<1x128x32xf32, #tpu.memory_space<vmem>>
        %dma_start3A_474 = tpu.memref_squeeze %dma_start3A_473 : memref<1x128x32xf32, #tpu.memory_space<vmem>> -> memref<128x32xf32, #tpu.memory_space<vmem>>
        %dma_start3A_475 = arith.constant 0 : i32
        %dma_start3A_476 = tpu.memref_slice %arg5[%add3A_342, %dma_start3A_475] : memref<104x128xi32, #tpu.memory_space<vmem>> -> memref<1x128xi32, #tpu.memory_space<vmem>>
        %dma_start3A_477 = tpu.memref_squeeze %dma_start3A_476 : memref<1x128xi32, #tpu.memory_space<vmem>> -> memref<128xi32, #tpu.memory_space<vmem>>
        %dma_start3A_478 = arith.constant 0 : i32
        %dma_start3A_479 = arith.constant 0 : i32
        %dma_start3A_480 = tpu.memref_slice %arg2[%dma_start3A_478, %dma_start3A_479] : memref<1000000x32xf32, #tpu.memory_space<hbm>> -> memref<1000000x32xf32, #tpu.memory_space<hbm>>
        tpu.enqueue_indirect_dma source(%dma_start3A_480 : memref<1000000x32xf32, #tpu.memory_space<hbm>>) target(%dma_start3A_474 : memref<128x32xf32, #tpu.memory_space<vmem>>) offsets(%dma_start3A_477 : memref<128xi32, #tpu.memory_space<vmem>>) semaphore(%arg8 : memref<!tpu.dma_semaphore, #tpu.memory_space<semaphore_mem>>)
      } else {
      }
      %dma_wait3A_353 = arith.constant 5 : i32
      %dma_wait3A_354 = arith.constant 0 : i32
      %dma_wait3A_355 = arith.constant 0 : i32
      %dma_wait3A_356 = tpu.memref_slice %arg6[%dma_wait3A_353, %dma_wait3A_354, %dma_wait3A_355] : memref<8x128x32xf32, #tpu.memory_space<vmem>> -> memref<1x128x32xf32, #tpu.memory_space<vmem>>
      %dma_wait3A_357 = tpu.memref_squeeze %dma_wait3A_356 : memref<1x128x32xf32, #tpu.memory_space<vmem>> -> memref<128x32xf32, #tpu.memory_space<vmem>>
      %dma_wait3A_358 = arith.constant 0 : i32
      %dma_wait3A_359 = tpu.memref_slice %arg5[%add3A_338, %dma_wait3A_358] : memref<104x128xi32, #tpu.memory_space<vmem>> -> memref<1x128xi32, #tpu.memory_space<vmem>>
      %dma_wait3A_360 = tpu.memref_squeeze %dma_wait3A_359 : memref<1x128xi32, #tpu.memory_space<vmem>> -> memref<128xi32, #tpu.memory_space<vmem>>
      %dma_wait3A_361 = arith.constant 0 : i32
      %dma_wait3A_362 = arith.constant 0 : i32
      %dma_wait3A_363 = tpu.memref_slice %arg2[%dma_wait3A_361, %dma_wait3A_362] : memref<1000000x32xf32, #tpu.memory_space<hbm>> -> memref<1000000x32xf32, #tpu.memory_space<hbm>>
      tpu.wait_indirect_dma semaphore(%arg12 : memref<!tpu.dma_semaphore, #tpu.memory_space<semaphore_mem>>) src(%dma_wait3A_363 : memref<1000000x32xf32, #tpu.memory_space<hbm>>) dst(%dma_wait3A_357 : memref<128x32xf32, #tpu.memory_space<vmem>>)
      %mul3A_364 = arith.constant 128 : i32
      %mul3A_365 = arith.muli %add3A_338, %mul3A_364 : i32
      %add3A_366 = arith.addi %mul3A_2, %mul3A_365 : i32
      %dma_start3A_367 = arith.constant 5 : i32
      %dma_start3A_368 = arith.constant 0 : i32
      %dma_start3A_369 = arith.constant 0 : i32
      %dma_start3A_370 = tpu.memref_slice %arg6[%dma_start3A_367, %dma_start3A_368, %dma_start3A_369] : memref<8x128x32xf32, #tpu.memory_space<vmem>> -> memref<1x128x32xf32, #tpu.memory_space<vmem>>
      %dma_start3A_371 = tpu.memref_squeeze %dma_start3A_370 : memref<1x128x32xf32, #tpu.memory_space<vmem>> -> memref<128x32xf32, #tpu.memory_space<vmem>>
      %dma_start3A_372 = arith.constant 0 : i32
      %dma_start3A_373 = tpu.memref_slice %arg4[%add3A_366, %dma_start3A_372] : memref<425984x32xf32, #tpu.memory_space<hbm>> -> memref<128x32xf32, #tpu.memory_space<hbm>>
      %dma_start3A_374 = arith.constant 0 : i32
      %dma_start3A_375 = tpu.memref_slice %arg4[%add3A_366, %dma_start3A_374] : memref<425984x32xf32, #tpu.memory_space<hbm>> -> memref<128x32xf32, #tpu.memory_space<hbm>>
      %dma_start3A_376 = arith.constant 0 : i32
      %dma_start3A_377 = arith.constant 0 : i32
      %dma_start3A_378 = tpu.memref_slice %arg6[%dma_start3A_367, %dma_start3A_376, %dma_start3A_377] : memref<8x128x32xf32, #tpu.memory_space<vmem>> -> memref<1x128x32xf32, #tpu.memory_space<vmem>>
      %dma_start3A_379 = tpu.memref_squeeze %dma_start3A_378 : memref<1x128x32xf32, #tpu.memory_space<vmem>> -> memref<128x32xf32, #tpu.memory_space<vmem>>
      tpu.enqueue_dma source(%dma_start3A_379 : memref<128x32xf32, #tpu.memory_space<vmem>>) target(%dma_start3A_375 : memref<128x32xf32, #tpu.memory_space<hbm>>) target_semaphore(%arg20 : memref<!tpu.dma_semaphore, #tpu.memory_space<semaphore_mem>>)
      %mul3A_380 = arith.constant 8 : i32
      %mul3A_381 = arith.muli %scan3A_114, %mul3A_380 : i32
      %add3A_382 = arith.constant 6 : i32
      %add3A_383 = arith.addi %mul3A_381, %add3A_382 : i32
      %sub3A_384 = arith.constant 4 : i32
      %sub3A_385 = arith.subi %add3A_383, %sub3A_384 : i32
      %add3A_386 = arith.constant 8 : i32
      %add3A_387 = arith.addi %sub3A_385, %add3A_386 : i32
      %ge3A_388 = arith.constant 4 : i32
      %ge3A_389 = arith.cmpi sge, %add3A_383, %ge3A_388 : i32
      %convert_element_type3A_390 = arith.extui %ge3A_389 : i1 to i32
      %cond3A_391 = arith.constant 0 : i32
      %cond3A_392 = arith.cmpi ne, %convert_element_type3A_390, %cond3A_391 : i32
      scf.if %cond3A_392 {
        %sub3A_470 = arith.constant 4 : i32
        %sub3A_471 = arith.subi %add3A_383, %sub3A_470 : i32
        %mul3A_472 = arith.constant 128 : i32
        %mul3A_473 = arith.muli %sub3A_471, %mul3A_472 : i32
        %add3A_474 = arith.addi %mul3A_2, %mul3A_473 : i32
        %dma_wait3A_475 = arith.constant 2 : i32
        %dma_wait3A_476 = arith.constant 0 : i32
        %dma_wait3A_477 = arith.constant 0 : i32
        %dma_wait3A_478 = tpu.memref_slice %arg6[%dma_wait3A_475, %dma_wait3A_476, %dma_wait3A_477] : memref<8x128x32xf32, #tpu.memory_space<vmem>> -> memref<1x128x32xf32, #tpu.memory_space<vmem>>
        %dma_wait3A_479 = tpu.memref_squeeze %dma_wait3A_478 : memref<1x128x32xf32, #tpu.memory_space<vmem>> -> memref<128x32xf32, #tpu.memory_space<vmem>>
        %dma_wait3A_480 = arith.constant 0 : i32
        %dma_wait3A_481 = tpu.memref_slice %arg4[%add3A_474, %dma_wait3A_480] : memref<425984x32xf32, #tpu.memory_space<hbm>> -> memref<128x32xf32, #tpu.memory_space<hbm>>
        %dma_wait3A_482 = arith.constant 0 : i32
        %dma_wait3A_483 = tpu.memref_slice %arg4[%add3A_474, %dma_wait3A_482] : memref<425984x32xf32, #tpu.memory_space<hbm>> -> memref<128x32xf32, #tpu.memory_space<hbm>>
        %dma_wait3A_484 = arith.constant 0 : i32
        %dma_wait3A_485 = arith.constant 0 : i32
        %dma_wait3A_486 = tpu.memref_slice %arg6[%dma_wait3A_475, %dma_wait3A_484, %dma_wait3A_485] : memref<8x128x32xf32, #tpu.memory_space<vmem>> -> memref<1x128x32xf32, #tpu.memory_space<vmem>>
        %dma_wait3A_487 = tpu.memref_squeeze %dma_wait3A_486 : memref<1x128x32xf32, #tpu.memory_space<vmem>> -> memref<128x32xf32, #tpu.memory_space<vmem>>
        tpu.wait_dma2 semaphore(%arg17 : memref<!tpu.dma_semaphore, #tpu.memory_space<semaphore_mem>>) src(%dma_wait3A_487 : memref<128x32xf32, #tpu.memory_space<vmem>>) dst(%dma_wait3A_483 : memref<128x32xf32, #tpu.memory_space<hbm>>)
      } else {
      }
      %lt3A_393 = arith.constant 104 : i32
      %lt3A_394 = arith.cmpi slt, %add3A_387, %lt3A_393 : i32
      %convert_element_type3A_395 = arith.extui %lt3A_394 : i1 to i32
      %cond3A_396 = arith.constant 0 : i32
      %cond3A_397 = arith.cmpi ne, %convert_element_type3A_395, %cond3A_396 : i32
      scf.if %cond3A_397 {
        %dma_start3A_470 = arith.constant 2 : i32
        %dma_start3A_471 = arith.constant 0 : i32
        %dma_start3A_472 = arith.constant 0 : i32
        %dma_start3A_473 = tpu.memref_slice %arg6[%dma_start3A_470, %dma_start3A_471, %dma_start3A_472] : memref<8x128x32xf32, #tpu.memory_space<vmem>> -> memref<1x128x32xf32, #tpu.memory_space<vmem>>
        %dma_start3A_474 = tpu.memref_squeeze %dma_start3A_473 : memref<1x128x32xf32, #tpu.memory_space<vmem>> -> memref<128x32xf32, #tpu.memory_space<vmem>>
        %dma_start3A_475 = arith.constant 0 : i32
        %dma_start3A_476 = tpu.memref_slice %arg5[%add3A_387, %dma_start3A_475] : memref<104x128xi32, #tpu.memory_space<vmem>> -> memref<1x128xi32, #tpu.memory_space<vmem>>
        %dma_start3A_477 = tpu.memref_squeeze %dma_start3A_476 : memref<1x128xi32, #tpu.memory_space<vmem>> -> memref<128xi32, #tpu.memory_space<vmem>>
        %dma_start3A_478 = arith.constant 0 : i32
        %dma_start3A_479 = arith.constant 0 : i32
        %dma_start3A_480 = tpu.memref_slice %arg2[%dma_start3A_478, %dma_start3A_479] : memref<1000000x32xf32, #tpu.memory_space<hbm>> -> memref<1000000x32xf32, #tpu.memory_space<hbm>>
        tpu.enqueue_indirect_dma source(%dma_start3A_480 : memref<1000000x32xf32, #tpu.memory_space<hbm>>) target(%dma_start3A_474 : memref<128x32xf32, #tpu.memory_space<vmem>>) offsets(%dma_start3A_477 : memref<128xi32, #tpu.memory_space<vmem>>) semaphore(%arg9 : memref<!tpu.dma_semaphore, #tpu.memory_space<semaphore_mem>>)
      } else {
      }
      %dma_wait3A_398 = arith.constant 6 : i32
      %dma_wait3A_399 = arith.constant 0 : i32
      %dma_wait3A_400 = arith.constant 0 : i32
      %dma_wait3A_401 = tpu.memref_slice %arg6[%dma_wait3A_398, %dma_wait3A_399, %dma_wait3A_400] : memref<8x128x32xf32, #tpu.memory_space<vmem>> -> memref<1x128x32xf32, #tpu.memory_space<vmem>>
      %dma_wait3A_402 = tpu.memref_squeeze %dma_wait3A_401 : memref<1x128x32xf32, #tpu.memory_space<vmem>> -> memref<128x32xf32, #tpu.memory_space<vmem>>
      %dma_wait3A_403 = arith.constant 0 : i32
      %dma_wait3A_404 = tpu.memref_slice %arg5[%add3A_383, %dma_wait3A_403] : memref<104x128xi32, #tpu.memory_space<vmem>> -> memref<1x128xi32, #tpu.memory_space<vmem>>
      %dma_wait3A_405 = tpu.memref_squeeze %dma_wait3A_404 : memref<1x128xi32, #tpu.memory_space<vmem>> -> memref<128xi32, #tpu.memory_space<vmem>>
      %dma_wait3A_406 = arith.constant 0 : i32
      %dma_wait3A_407 = arith.constant 0 : i32
      %dma_wait3A_408 = tpu.memref_slice %arg2[%dma_wait3A_406, %dma_wait3A_407] : memref<1000000x32xf32, #tpu.memory_space<hbm>> -> memref<1000000x32xf32, #tpu.memory_space<hbm>>
      tpu.wait_indirect_dma semaphore(%arg13 : memref<!tpu.dma_semaphore, #tpu.memory_space<semaphore_mem>>) src(%dma_wait3A_408 : memref<1000000x32xf32, #tpu.memory_space<hbm>>) dst(%dma_wait3A_402 : memref<128x32xf32, #tpu.memory_space<vmem>>)
      %mul3A_409 = arith.constant 128 : i32
      %mul3A_410 = arith.muli %add3A_383, %mul3A_409 : i32
      %add3A_411 = arith.addi %mul3A_2, %mul3A_410 : i32
      %dma_start3A_412 = arith.constant 6 : i32
      %dma_start3A_413 = arith.constant 0 : i32
      %dma_start3A_414 = arith.constant 0 : i32
      %dma_start3A_415 = tpu.memref_slice %arg6[%dma_start3A_412, %dma_start3A_413, %dma_start3A_414] : memref<8x128x32xf32, #tpu.memory_space<vmem>> -> memref<1x128x32xf32, #tpu.memory_space<vmem>>
      %dma_start3A_416 = tpu.memref_squeeze %dma_start3A_415 : memref<1x128x32xf32, #tpu.memory_space<vmem>> -> memref<128x32xf32, #tpu.memory_space<vmem>>
      %dma_start3A_417 = arith.constant 0 : i32
      %dma_start3A_418 = tpu.memref_slice %arg4[%add3A_411, %dma_start3A_417] : memref<425984x32xf32, #tpu.memory_space<hbm>> -> memref<128x32xf32, #tpu.memory_space<hbm>>
      %dma_start3A_419 = arith.constant 0 : i32
      %dma_start3A_420 = tpu.memref_slice %arg4[%add3A_411, %dma_start3A_419] : memref<425984x32xf32, #tpu.memory_space<hbm>> -> memref<128x32xf32, #tpu.memory_space<hbm>>
      %dma_start3A_421 = arith.constant 0 : i32
      %dma_start3A_422 = arith.constant 0 : i32
      %dma_start3A_423 = tpu.memref_slice %arg6[%dma_start3A_412, %dma_start3A_421, %dma_start3A_422] : memref<8x128x32xf32, #tpu.memory_space<vmem>> -> memref<1x128x32xf32, #tpu.memory_space<vmem>>
      %dma_start3A_424 = tpu.memref_squeeze %dma_start3A_423 : memref<1x128x32xf32, #tpu.memory_space<vmem>> -> memref<128x32xf32, #tpu.memory_space<vmem>>
      tpu.enqueue_dma source(%dma_start3A_424 : memref<128x32xf32, #tpu.memory_space<vmem>>) target(%dma_start3A_420 : memref<128x32xf32, #tpu.memory_space<hbm>>) target_semaphore(%arg21 : memref<!tpu.dma_semaphore, #tpu.memory_space<semaphore_mem>>)
      %mul3A_425 = arith.constant 8 : i32
      %mul3A_426 = arith.muli %scan3A_114, %mul3A_425 : i32
      %add3A_427 = arith.constant 7 : i32
      %add3A_428 = arith.addi %mul3A_426, %add3A_427 : i32
      %sub3A_429 = arith.constant 4 : i32
      %sub3A_430 = arith.subi %add3A_428, %sub3A_429 : i32
      %add3A_431 = arith.constant 8 : i32
      %add3A_432 = arith.addi %sub3A_430, %add3A_431 : i32
      %ge3A_433 = arith.constant 4 : i32
      %ge3A_434 = arith.cmpi sge, %add3A_428, %ge3A_433 : i32
      %convert_element_type3A_435 = arith.extui %ge3A_434 : i1 to i32
      %cond3A_436 = arith.constant 0 : i32
      %cond3A_437 = arith.cmpi ne, %convert_element_type3A_435, %cond3A_436 : i32
      scf.if %cond3A_437 {
        %sub3A_470 = arith.constant 4 : i32
        %sub3A_471 = arith.subi %add3A_428, %sub3A_470 : i32
        %mul3A_472 = arith.constant 128 : i32
        %mul3A_473 = arith.muli %sub3A_471, %mul3A_472 : i32
        %add3A_474 = arith.addi %mul3A_2, %mul3A_473 : i32
        %dma_wait3A_475 = arith.constant 3 : i32
        %dma_wait3A_476 = arith.constant 0 : i32
        %dma_wait3A_477 = arith.constant 0 : i32
        %dma_wait3A_478 = tpu.memref_slice %arg6[%dma_wait3A_475, %dma_wait3A_476, %dma_wait3A_477] : memref<8x128x32xf32, #tpu.memory_space<vmem>> -> memref<1x128x32xf32, #tpu.memory_space<vmem>>
        %dma_wait3A_479 = tpu.memref_squeeze %dma_wait3A_478 : memref<1x128x32xf32, #tpu.memory_space<vmem>> -> memref<128x32xf32, #tpu.memory_space<vmem>>
        %dma_wait3A_480 = arith.constant 0 : i32
        %dma_wait3A_481 = tpu.memref_slice %arg4[%add3A_474, %dma_wait3A_480] : memref<425984x32xf32, #tpu.memory_space<hbm>> -> memref<128x32xf32, #tpu.memory_space<hbm>>
        %dma_wait3A_482 = arith.constant 0 : i32
        %dma_wait3A_483 = tpu.memref_slice %arg4[%add3A_474, %dma_wait3A_482] : memref<425984x32xf32, #tpu.memory_space<hbm>> -> memref<128x32xf32, #tpu.memory_space<hbm>>
        %dma_wait3A_484 = arith.constant 0 : i32
        %dma_wait3A_485 = arith.constant 0 : i32
        %dma_wait3A_486 = tpu.memref_slice %arg6[%dma_wait3A_475, %dma_wait3A_484, %dma_wait3A_485] : memref<8x128x32xf32, #tpu.memory_space<vmem>> -> memref<1x128x32xf32, #tpu.memory_space<vmem>>
        %dma_wait3A_487 = tpu.memref_squeeze %dma_wait3A_486 : memref<1x128x32xf32, #tpu.memory_space<vmem>> -> memref<128x32xf32, #tpu.memory_space<vmem>>
        tpu.wait_dma2 semaphore(%arg18 : memref<!tpu.dma_semaphore, #tpu.memory_space<semaphore_mem>>) src(%dma_wait3A_487 : memref<128x32xf32, #tpu.memory_space<vmem>>) dst(%dma_wait3A_483 : memref<128x32xf32, #tpu.memory_space<hbm>>)
      } else {
      }
      %lt3A_438 = arith.constant 104 : i32
      %lt3A_439 = arith.cmpi slt, %add3A_432, %lt3A_438 : i32
      %convert_element_type3A_440 = arith.extui %lt3A_439 : i1 to i32
      %cond3A_441 = arith.constant 0 : i32
      %cond3A_442 = arith.cmpi ne, %convert_element_type3A_440, %cond3A_441 : i32
      scf.if %cond3A_442 {
        %dma_start3A_470 = arith.constant 3 : i32
        %dma_start3A_471 = arith.constant 0 : i32
        %dma_start3A_472 = arith.constant 0 : i32
        %dma_start3A_473 = tpu.memref_slice %arg6[%dma_start3A_470, %dma_start3A_471, %dma_start3A_472] : memref<8x128x32xf32, #tpu.memory_space<vmem>> -> memref<1x128x32xf32, #tpu.memory_space<vmem>>
        %dma_start3A_474 = tpu.memref_squeeze %dma_start3A_473 : memref<1x128x32xf32, #tpu.memory_space<vmem>> -> memref<128x32xf32, #tpu.memory_space<vmem>>
        %dma_start3A_475 = arith.constant 0 : i32
        %dma_start3A_476 = tpu.memref_slice %arg5[%add3A_432, %dma_start3A_475] : memref<104x128xi32, #tpu.memory_space<vmem>> -> memref<1x128xi32, #tpu.memory_space<vmem>>
        %dma_start3A_477 = tpu.memref_squeeze %dma_start3A_476 : memref<1x128xi32, #tpu.memory_space<vmem>> -> memref<128xi32, #tpu.memory_space<vmem>>
        %dma_start3A_478 = arith.constant 0 : i32
        %dma_start3A_479 = arith.constant 0 : i32
        %dma_start3A_480 = tpu.memref_slice %arg2[%dma_start3A_478, %dma_start3A_479] : memref<1000000x32xf32, #tpu.memory_space<hbm>> -> memref<1000000x32xf32, #tpu.memory_space<hbm>>
        tpu.enqueue_indirect_dma source(%dma_start3A_480 : memref<1000000x32xf32, #tpu.memory_space<hbm>>) target(%dma_start3A_474 : memref<128x32xf32, #tpu.memory_space<vmem>>) offsets(%dma_start3A_477 : memref<128xi32, #tpu.memory_space<vmem>>) semaphore(%arg10 : memref<!tpu.dma_semaphore, #tpu.memory_space<semaphore_mem>>)
      } else {
      }
      %dma_wait3A_443 = arith.constant 7 : i32
      %dma_wait3A_444 = arith.constant 0 : i32
      %dma_wait3A_445 = arith.constant 0 : i32
      %dma_wait3A_446 = tpu.memref_slice %arg6[%dma_wait3A_443, %dma_wait3A_444, %dma_wait3A_445] : memref<8x128x32xf32, #tpu.memory_space<vmem>> -> memref<1x128x32xf32, #tpu.memory_space<vmem>>
      %dma_wait3A_447 = tpu.memref_squeeze %dma_wait3A_446 : memref<1x128x32xf32, #tpu.memory_space<vmem>> -> memref<128x32xf32, #tpu.memory_space<vmem>>
      %dma_wait3A_448 = arith.constant 0 : i32
      %dma_wait3A_449 = tpu.memref_slice %arg5[%add3A_428, %dma_wait3A_448] : memref<104x128xi32, #tpu.memory_space<vmem>> -> memref<1x128xi32, #tpu.memory_space<vmem>>
      %dma_wait3A_450 = tpu.memref_squeeze %dma_wait3A_449 : memref<1x128xi32, #tpu.memory_space<vmem>> -> memref<128xi32, #tpu.memory_space<vmem>>
      %dma_wait3A_451 = arith.constant 0 : i32
      %dma_wait3A_452 = arith.constant 0 : i32
      %dma_wait3A_453 = tpu.memref_slice %arg2[%dma_wait3A_451, %dma_wait3A_452] : memref<1000000x32xf32, #tpu.memory_space<hbm>> -> memref<1000000x32xf32, #tpu.memory_space<hbm>>
      tpu.wait_indirect_dma semaphore(%arg14 : memref<!tpu.dma_semaphore, #tpu.memory_space<semaphore_mem>>) src(%dma_wait3A_453 : memref<1000000x32xf32, #tpu.memory_space<hbm>>) dst(%dma_wait3A_447 : memref<128x32xf32, #tpu.memory_space<vmem>>)
      %mul3A_454 = arith.constant 128 : i32
      %mul3A_455 = arith.muli %add3A_428, %mul3A_454 : i32
      %add3A_456 = arith.addi %mul3A_2, %mul3A_455 : i32
      %dma_start3A_457 = arith.constant 7 : i32
      %dma_start3A_458 = arith.constant 0 : i32
      %dma_start3A_459 = arith.constant 0 : i32
      %dma_start3A_460 = tpu.memref_slice %arg6[%dma_start3A_457, %dma_start3A_458, %dma_start3A_459] : memref<8x128x32xf32, #tpu.memory_space<vmem>> -> memref<1x128x32xf32, #tpu.memory_space<vmem>>
      %dma_start3A_461 = tpu.memref_squeeze %dma_start3A_460 : memref<1x128x32xf32, #tpu.memory_space<vmem>> -> memref<128x32xf32, #tpu.memory_space<vmem>>
      %dma_start3A_462 = arith.constant 0 : i32
      %dma_start3A_463 = tpu.memref_slice %arg4[%add3A_456, %dma_start3A_462] : memref<425984x32xf32, #tpu.memory_space<hbm>> -> memref<128x32xf32, #tpu.memory_space<hbm>>
      %dma_start3A_464 = arith.constant 0 : i32
      %dma_start3A_465 = tpu.memref_slice %arg4[%add3A_456, %dma_start3A_464] : memref<425984x32xf32, #tpu.memory_space<hbm>> -> memref<128x32xf32, #tpu.memory_space<hbm>>
      %dma_start3A_466 = arith.constant 0 : i32
      %dma_start3A_467 = arith.constant 0 : i32
      %dma_start3A_468 = tpu.memref_slice %arg6[%dma_start3A_457, %dma_start3A_466, %dma_start3A_467] : memref<8x128x32xf32, #tpu.memory_space<vmem>> -> memref<1x128x32xf32, #tpu.memory_space<vmem>>
      %dma_start3A_469 = tpu.memref_squeeze %dma_start3A_468 : memref<1x128x32xf32, #tpu.memory_space<vmem>> -> memref<128x32xf32, #tpu.memory_space<vmem>>
      tpu.enqueue_dma source(%dma_start3A_469 : memref<128x32xf32, #tpu.memory_space<vmem>>) target(%dma_start3A_465 : memref<128x32xf32, #tpu.memory_space<hbm>>) target_semaphore(%arg22 : memref<!tpu.dma_semaphore, #tpu.memory_space<semaphore_mem>>)
    }
    %scan3A_54 = arith.constant 13 : i32
    %add3A_55 = arith.constant 12800 : i32
    %add3A_56 = arith.addi %mul3A_2, %add3A_55 : i32
    %dma_wait3A = arith.constant 4 : i32
    %dma_wait3A_57 = arith.constant 0 : i32
    %dma_wait3A_58 = arith.constant 0 : i32
    %dma_wait3A_59 = tpu.memref_slice %arg6[%dma_wait3A, %dma_wait3A_57, %dma_wait3A_58] : memref<8x128x32xf32, #tpu.memory_space<vmem>> -> memref<1x128x32xf32, #tpu.memory_space<vmem>>
    %dma_wait3A_60 = tpu.memref_squeeze %dma_wait3A_59 : memref<1x128x32xf32, #tpu.memory_space<vmem>> -> memref<128x32xf32, #tpu.memory_space<vmem>>
    %dma_wait3A_61 = arith.constant 0 : i32
    %dma_wait3A_62 = tpu.memref_slice %arg4[%add3A_56, %dma_wait3A_61] : memref<425984x32xf32, #tpu.memory_space<hbm>> -> memref<128x32xf32, #tpu.memory_space<hbm>>
    %dma_wait3A_63 = arith.constant 0 : i32
    %dma_wait3A_64 = tpu.memref_slice %arg4[%add3A_56, %dma_wait3A_63] : memref<425984x32xf32, #tpu.memory_space<hbm>> -> memref<128x32xf32, #tpu.memory_space<hbm>>
    %dma_wait3A_65 = arith.constant 0 : i32
    %dma_wait3A_66 = arith.constant 0 : i32
    %dma_wait3A_67 = tpu.memref_slice %arg6[%dma_wait3A, %dma_wait3A_65, %dma_wait3A_66] : memref<8x128x32xf32, #tpu.memory_space<vmem>> -> memref<1x128x32xf32, #tpu.memory_space<vmem>>
    %dma_wait3A_68 = tpu.memref_squeeze %dma_wait3A_67 : memref<1x128x32xf32, #tpu.memory_space<vmem>> -> memref<128x32xf32, #tpu.memory_space<vmem>>
    tpu.wait_dma2 semaphore(%arg19 : memref<!tpu.dma_semaphore, #tpu.memory_space<semaphore_mem>>) src(%dma_wait3A_68 : memref<128x32xf32, #tpu.memory_space<vmem>>) dst(%dma_wait3A_64 : memref<128x32xf32, #tpu.memory_space<hbm>>)
    %add3A_69 = arith.constant 12928 : i32
    %add3A_70 = arith.addi %mul3A_2, %add3A_69 : i32
    %dma_wait3A_71 = arith.constant 5 : i32
    %dma_wait3A_72 = arith.constant 0 : i32
    %dma_wait3A_73 = arith.constant 0 : i32
    %dma_wait3A_74 = tpu.memref_slice %arg6[%dma_wait3A_71, %dma_wait3A_72, %dma_wait3A_73] : memref<8x128x32xf32, #tpu.memory_space<vmem>> -> memref<1x128x32xf32, #tpu.memory_space<vmem>>
    %dma_wait3A_75 = tpu.memref_squeeze %dma_wait3A_74 : memref<1x128x32xf32, #tpu.memory_space<vmem>> -> memref<128x32xf32, #tpu.memory_space<vmem>>
    %dma_wait3A_76 = arith.constant 0 : i32
    %dma_wait3A_77 = tpu.memref_slice %arg4[%add3A_70, %dma_wait3A_76] : memref<425984x32xf32, #tpu.memory_space<hbm>> -> memref<128x32xf32, #tpu.memory_space<hbm>>
    %dma_wait3A_78 = arith.constant 0 : i32
    %dma_wait3A_79 = tpu.memref_slice %arg4[%add3A_70, %dma_wait3A_78] : memref<425984x32xf32, #tpu.memory_space<hbm>> -> memref<128x32xf32, #tpu.memory_space<hbm>>
    %dma_wait3A_80 = arith.constant 0 : i32
    %dma_wait3A_81 = arith.constant 0 : i32
    %dma_wait3A_82 = tpu.memref_slice %arg6[%dma_wait3A_71, %dma_wait3A_80, %dma_wait3A_81] : memref<8x128x32xf32, #tpu.memory_space<vmem>> -> memref<1x128x32xf32, #tpu.memory_space<vmem>>
    %dma_wait3A_83 = tpu.memref_squeeze %dma_wait3A_82 : memref<1x128x32xf32, #tpu.memory_space<vmem>> -> memref<128x32xf32, #tpu.memory_space<vmem>>
    tpu.wait_dma2 semaphore(%arg20 : memref<!tpu.dma_semaphore, #tpu.memory_space<semaphore_mem>>) src(%dma_wait3A_83 : memref<128x32xf32, #tpu.memory_space<vmem>>) dst(%dma_wait3A_79 : memref<128x32xf32, #tpu.memory_space<hbm>>)
    %add3A_84 = arith.constant 13056 : i32
    %add3A_85 = arith.addi %mul3A_2, %add3A_84 : i32
    %dma_wait3A_86 = arith.constant 6 : i32
    %dma_wait3A_87 = arith.constant 0 : i32
    %dma_wait3A_88 = arith.constant 0 : i32
    %dma_wait3A_89 = tpu.memref_slice %arg6[%dma_wait3A_86, %dma_wait3A_87, %dma_wait3A_88] : memref<8x128x32xf32, #tpu.memory_space<vmem>> -> memref<1x128x32xf32, #tpu.memory_space<vmem>>
    %dma_wait3A_90 = tpu.memref_squeeze %dma_wait3A_89 : memref<1x128x32xf32, #tpu.memory_space<vmem>> -> memref<128x32xf32, #tpu.memory_space<vmem>>
    %dma_wait3A_91 = arith.constant 0 : i32
    %dma_wait3A_92 = tpu.memref_slice %arg4[%add3A_85, %dma_wait3A_91] : memref<425984x32xf32, #tpu.memory_space<hbm>> -> memref<128x32xf32, #tpu.memory_space<hbm>>
    %dma_wait3A_93 = arith.constant 0 : i32
    %dma_wait3A_94 = tpu.memref_slice %arg4[%add3A_85, %dma_wait3A_93] : memref<425984x32xf32, #tpu.memory_space<hbm>> -> memref<128x32xf32, #tpu.memory_space<hbm>>
    %dma_wait3A_95 = arith.constant 0 : i32
    %dma_wait3A_96 = arith.constant 0 : i32
    %dma_wait3A_97 = tpu.memref_slice %arg6[%dma_wait3A_86, %dma_wait3A_95, %dma_wait3A_96] : memref<8x128x32xf32, #tpu.memory_space<vmem>> -> memref<1x128x32xf32, #tpu.memory_space<vmem>>
    %dma_wait3A_98 = tpu.memref_squeeze %dma_wait3A_97 : memref<1x128x32xf32, #tpu.memory_space<vmem>> -> memref<128x32xf32, #tpu.memory_space<vmem>>
    tpu.wait_dma2 semaphore(%arg21 : memref<!tpu.dma_semaphore, #tpu.memory_space<semaphore_mem>>) src(%dma_wait3A_98 : memref<128x32xf32, #tpu.memory_space<vmem>>) dst(%dma_wait3A_94 : memref<128x32xf32, #tpu.memory_space<hbm>>)
    %add3A_99 = arith.constant 13184 : i32
    %add3A_100 = arith.addi %mul3A_2, %add3A_99 : i32
    %dma_wait3A_101 = arith.constant 7 : i32
    %dma_wait3A_102 = arith.constant 0 : i32
    %dma_wait3A_103 = arith.constant 0 : i32
    %dma_wait3A_104 = tpu.memref_slice %arg6[%dma_wait3A_101, %dma_wait3A_102, %dma_wait3A_103] : memref<8x128x32xf32, #tpu.memory_space<vmem>> -> memref<1x128x32xf32, #tpu.memory_space<vmem>>
    %dma_wait3A_105 = tpu.memref_squeeze %dma_wait3A_104 : memref<1x128x32xf32, #tpu.memory_space<vmem>> -> memref<128x32xf32, #tpu.memory_space<vmem>>
    %dma_wait3A_106 = arith.constant 0 : i32
    %dma_wait3A_107 = tpu.memref_slice %arg4[%add3A_100, %dma_wait3A_106] : memref<425984x32xf32, #tpu.memory_space<hbm>> -> memref<128x32xf32, #tpu.memory_space<hbm>>
    %dma_wait3A_108 = arith.constant 0 : i32
    %dma_wait3A_109 = tpu.memref_slice %arg4[%add3A_100, %dma_wait3A_108] : memref<425984x32xf32, #tpu.memory_space<hbm>> -> memref<128x32xf32, #tpu.memory_space<hbm>>
    %dma_wait3A_110 = arith.constant 0 : i32
    %dma_wait3A_111 = arith.constant 0 : i32
    %dma_wait3A_112 = tpu.memref_slice %arg6[%dma_wait3A_101, %dma_wait3A_110, %dma_wait3A_111] : memref<8x128x32xf32, #tpu.memory_space<vmem>> -> memref<1x128x32xf32, #tpu.memory_space<vmem>>
    %dma_wait3A_113 = tpu.memref_squeeze %dma_wait3A_112 : memref<1x128x32xf32, #tpu.memory_space<vmem>> -> memref<128x32xf32, #tpu.memory_space<vmem>>
    tpu.wait_dma2 semaphore(%arg22 : memref<!tpu.dma_semaphore, #tpu.memory_space<semaphore_mem>>) src(%dma_wait3A_113 : memref<128x32xf32, #tpu.memory_space<vmem>>) dst(%dma_wait3A_109 : memref<128x32xf32, #tpu.memory_space<hbm>>)
    return
  }
}

</mosaic_0001>

<sc_bundles>
// kernel: kernel.3.cloned.1.call-start
scs
__scs_entry_jumppad:
0x0: {  	(pc) =	sbr.rel $0x88, $3  }
0x1: {  	(tag) =	ssettag $0x0;
	lr =	simm.s32 $0x1  }
0x2: {  	[smem:$0x3F9F] =	sst lr;
	_ =	strace $0xD0000000  }
0x3: {  	_ = 	snop  }
0x4: {  	_ = 	snop  }
0x5: {  	_ = 	snop  }
0x6: {  	_ = 	snop  }
0x7: {  	_ = 	snop  }
__scs_overlays_trampoline_lowered:
0x8: {  	[smem:$0x3FAE] =	sst s0  }
0x9: {  	[smem:$0x3FAF] =	sst s1  }
0xa: {  	[smem:$0x3FB0] =	sst s2  }
0xb: {  	[smem:$0x3FB1] =	sst s3  }
0xc: {  	[smem:$0x3FB2] =	sst s4  }
0xd: {  	[smem:$0x3FB3] =	sst s5  }
0xe: {  	[smem:$0x3FB4] =	sst s6  }
0xf: {  	[smem:$0x3FB5] =	sst s7  }
0x10: {  	[smem:$0x3FB6] =	sst s8  }
0x11: {  	[smem:$0x3FB7] =	sst s9;
	s0 =	simm.s32 @!p0 $0x0  }
0x12: {  	s1 =	sld [smem:$0x3F9D];
	s0 =	simm.s32 @p0 $0x1  }
0x13: {  	[smem:$0x3FB8] =	sst s0;
	s0 =	simm.s32 @!p1 $0x0  }
0x14: {  	s2 =	sld [smem:$0x3F9C];
	s0 =	simm.s32 @p1 $0x1  }
0x15: {  	[smem:$0x3FB9] =	sst s0;
	s0 =	simm.s32 @!p2 $0x0  }
0x16: {  	s3 =	sld [smem:$0x3FDB];
	s0 =	simm.s32 @p2 $0x1  }
0x17: {  	s4 =	simm.s32 $0x1BF5;
	[smem:$0x3FBB] =	sst s0  }
0x18: {  	s0 =	sld [smem:$0x3F9E];
	_ =	swait.ge [sflag:s4], $0x0  }
0x19: {  	s7 =	sld [smem:$0x3F9F]  }
0x1a: {  	s8 =	sadd.s32 $0xFFFFE003, lr  }
0x1b: {  	s9 =	sadd.s32 $0xFFFFFEF7, lr;
	s5 =	simm.s32 $0xFFFFFFFF;
	p2 =	slt.u32 s8, $0xFFFFF086  }
0x1c: {  	p1 =	slt.u32 s9, $0xF7A;
	s5 =	simm.s32 @!p2 $0x0  }
0x1d: {  	s5 =	simm.s32 @p1 $0x1;
	p0 =	seq.s32 s7, s2  }
0x1e: {  	s7 =	smul.u32 @!p0 $0xF7A, s2;
	p2 =	seq.s32 @!p0 s5, $0x0  }
0x1f: {  	s9 =	smul.u32 $0xF7A, s1;
	s8 =	simm.s32 @!p0 $0x1BF5;
	p2 =	por !p2, p0  }
0x20: {  	[sflag:s8] =	ssyncset.s32 @!p0 $0xFFFFF086;
	s6 =	sadd.s32 @!p0 s3, s7;
	s7 =	simm.s32 @!p0 $0x108  }
0x21: {  	s3 =	sadd.s32 s3, s9;
	s6 =	sadd.s32 @!p0 $0x88, s6;
	s7 =	simm.s32 @p2 $0x1082  }
0x22: {  	[simem:s7], [sflag:s8] =	dma.local @!p0 [hbm:s6], $0xF7A  }
0x23: {  	s9 =	sor.u32 $0xD0000000, s2;
	s6 =	simm.s32 $0x108;
	_ =	swait.ge @!p0 [sflag:s8], $0x0  }
0x24: {  	s3 =	sadd.s32 $0x88, s3;
	s6 =	simm.s32 @!p1 $0x1082;
	[sflag:s4] =	ssyncset.s32 $0xFFFFF086  }
0x25: {  	[simem:s6], [sflag:s4] =	dma.local [hbm:s3], $0xF7A  }
0x26: {  	[smem:$0x3F9F] =	sst s1;
	(tag) =	ssettag s2;
	_ =	strace s9  }
0x27: {  	s1 =	sld [smem:$0x3FAF]  }
0x28: {  	s2 =	sld [smem:$0x3FB0]  }
0x29: {  	s4 =	sld [smem:$0x3FB2]  }
0x2a: {  	p0 =	seq.s32 s5, $0x0;
	s5 =	sld [smem:$0x3FB3]  }
0x2b: {  	s6 =	sld [smem:$0x3FB4]  }
0x2c: {  	s7 =	sld [smem:$0x3FB5]  }
0x2d: {  	s3 =	simm.s32 $0x108;
	s8 =	sld [smem:$0x3FB6]  }
0x2e: {  	s3 =	simm.s32 @!p0 $0x1082;
	s9 =	sld [smem:$0x3FB7]  }
0x2f: {  	lr =	sadd.s32 s0, s3;
	s0 =	sld [smem:$0x3FAE]  }
0x30: {  	s3 =	sld [smem:$0x3FB1]  }
0x31: {  	[smem:$0x3FBA] =	sst s10  }
0x32: {  	s10 =	sld [smem:$0x3FB8];
	_ =	sdelay $0x3  }
0x33: {  	p0 =	seq.s32 s10, $0x1;
	s10 =	sld [smem:$0x3FBA];
	_ =	sdelay $0x3  }
0x34: {  	[smem:$0x3FBA] =	sst s10  }
0x35: {  	s10 =	sld [smem:$0x3FB9];
	_ =	sdelay $0x3  }
0x36: {  	p1 =	seq.s32 s10, $0x1;
	s10 =	sld [smem:$0x3FBA];
	_ =	sdelay $0x3  }
0x37: {  	[smem:$0x3FBA] =	sst s10  }
0x38: {  	s10 =	sld [smem:$0x3FBB]  }
0x39: {  	_ = 	snop;
	(pc) =	sbr.ind lr, $3  }
0x3a: {  	_ = 	snop  }
0x3b: {  	_ = 	snop  }
0x3c: {  	p2 =	seq.s32 s10, $0x1;
	s10 =	sld [smem:$0x3FBA]  }
0x3d: {  	_ =	shalt  }
0x3e: {  	_ =	shalt  }
0x3f: {  	_ =	shalt  }
0x40: {  	_ =	shalt  }
0x41: {  	_ =	shalt  }
0x42: {  	_ =	shalt  }
0x43: {  	_ =	shalt  }
0x44: {  	_ =	shalt  }
0x45: {  	_ =	shalt  }
0x46: {  	_ =	shalt  }
0x47: {  	_ =	shalt  }
0x48: {  	_ =	shalt  }
0x49: {  	_ =	shalt  }
0x4a: {  	_ =	shalt  }
0x4b: {  	_ =	shalt  }
0x4c: {  	_ =	shalt  }
0x4d: {  	_ =	shalt  }
0x4e: {  	_ =	shalt  }
0x4f: {  	_ =	shalt  }
0x50: {  	_ =	shalt  }
0x51: {  	_ =	shalt  }
0x52: {  	_ =	shalt  }
0x53: {  	_ =	shalt  }
0x54: {  	_ =	shalt  }
0x55: {  	_ =	shalt  }
0x56: {  	_ =	shalt  }
0x57: {  	_ =	shalt  }
0x58: {  	_ =	shalt  }
0x59: {  	_ =	shalt  }
0x5a: {  	_ =	shalt  }
0x5b: {  	_ =	shalt  }
0x5c: {  	_ =	shalt  }
0x5d: {  	_ =	shalt  }
0x5e: {  	_ =	shalt  }
0x5f: {  	_ =	shalt  }
0x60: {  	_ =	shalt  }
0x61: {  	_ =	shalt  }
0x62: {  	_ =	shalt  }
0x63: {  	_ =	shalt  }
0x64: {  	_ =	shalt  }
0x65: {  	_ =	shalt  }
0x66: {  	_ =	shalt  }
0x67: {  	_ =	shalt  }
0x68: {  	_ =	shalt  }
0x69: {  	_ =	shalt  }
0x6a: {  	_ =	shalt  }
0x6b: {  	_ =	shalt  }
0x6c: {  	_ =	shalt  }
0x6d: {  	_ =	shalt  }
0x6e: {  	_ =	shalt  }
0x6f: {  	_ =	shalt  }
0x70: {  	_ =	shalt  }
0x71: {  	_ =	shalt  }
0x72: {  	_ =	shalt  }
0x73: {  	_ =	shalt  }
0x74: {  	_ =	shalt  }
0x75: {  	_ =	shalt  }
0x76: {  	_ =	shalt  }
0x77: {  	_ =	shalt  }
0x78: {  	_ =	shalt  }
0x79: {  	_ =	shalt  }
0x7a: {  	_ =	shalt  }
0x7b: {  	_ =	shalt  }
0x7c: {  	_ =	shalt  }
0x7d: {  	_ =	shalt  }
0x7e: {  	_ =	shalt  }
0x7f: {  	_ =	shalt  }
0x80: {  	_ =	shalt  }
0x81: {  	_ =	shalt  }
0x82: {  	_ =	shalt  }
0x83: {  	_ =	shalt  }
0x84: {  	_ =	shalt  }
0x85: {  	_ =	shalt  }
0x86: {  	_ =	shalt  }
0x87: {  	_ =	shalt  }
.Lfunc_end0:
.L_simem_size_0:
called_computation.1_lowered:
.L_overlay_start_0:
0x88: {  	s2 =	sld [smem:$0x3FD9]  }
0x89: {  	s3 =	sld [smem:$0x3FFE];
	_ =	sdelay $0x1  }
0x8a: {  	s1 =	srdreg.scid  }
0x8b: {  	s0 =	sand.u32 $0x1, s1  }
0x8c: {  	s17 =	sshll.u32 s0, $0xA;
	s2 =	sadd.s32 s3, s2  }
0x8d: {  	s2 =	sadd.s32 s2, s17  }
0x8e: {  	[smem:$0x3FC6] =	sst s2  }
0x8f: {  	_ = 	snop  }
0x90: {  	s2 =	sld [smem:$0x3FD0];
	(tm) =	ssettm $0x1  }
0x91: {  	s18 =	sld [smem:$0x3FFB];
	_ =	sdelay $0x3  }
0x92: {  	_ =	strace s18  }
0x93: {  	s3 =	sld [smem:$0x3FFC];
	_ =	sdelay $0x3  }
0x94: {  	_ =	strace s3  }
0x95: {  	s3 =	sld [smem:$0x3FFD];
	_ =	sdelay $0x3  }
0x96: {  	_ =	strace s3  }
0x97: {  	_ =	strace $0x8FFFFFFF  }
0x98: {  	s19 =	sld [smem:$0x3FDB];
	_ =	sdelay $0x1  }
0x99: {  	s4 =	simm.s32 $_scs_section_size  }
0x9a: {  	s5 =	simm.s32 $_size__tile_overlayer_lowered;
	s6 =	simm.s32 $_tile_overlayer_lowered  }
0x9b: {  	s22 =	simm.s32 $0x1BFF;
	s21 =	sshll.u32 s6, $0x1;
	s3 =	sadd.s32 s4, s19  }
0x9c: {  	s7 =	simm.s32 $0x0;
	s20 =	sshll.u32 s5, $0x1;
	s5 =	sadd.s32 s21, s3  }
0x9d: {  	[timem:s7], [sflag:s22] =	dma.local [hbm:s5], s20  }
0x9e: {  	_ =	swait.ge [sflag:s22], s20  }
0x9f: {  	s4 =	ssub.s32 $0x0, s20;
	[sflag:s22] =	ssyncset.done $0x0  }
0xa0: {  	[sflag:s22] =	ssyncadd.s32 s4;
	_ =	sdelay $0x1  }
0xa1: {  	s23 =	simm.s32 $0x1B8B  }
0xa2: {  	_ =	swait.ge [sflag:s23], $0x1  }
0xa3: {  	[sflag:s23] =	ssyncset.done $0x0  }
0xa4: {  	s25 =	simm.s32 $0x1B8E;
	s24 =	sld [smem:$0x3FFE];
	[sflag:s23] =	ssyncadd.s32 $0xFFFFFFFF  }
0xa5: {  	s26 =	simm.s32 $execute0_lowered;
	[smem:$0x3FD2] =	sst s25  }
0xa6: {  	s5 =	sshll.u32 s26, $0x1;
	_ =	strace $0x80000046;
	[dreg:$0x1] =	wrdreg $0xFFFFFFFF  }
0xa7: {  	s28 =	simm.s32 $_size_execute0_lowered;
	s3 =	sadd.s32 s3, s5;
	[dreg:$0x0] =	wrdreg $0x0  }
0xa8: {  	s5 =	sshll.u32 s28, $0x1;
	[dreg:$0x2] =	wrdreg s3  }
0xa9: {  	[dreg:$0x3] =	wrdreg s5  }
0xaa: {  	[dreg:$0x4] =	wrdreg $0xC0  }
0xab: {  	_ =	task [dreg:s7], $0x5FFFF  }
0xac: {  	[dreg:$0x1] =	wrdreg $0xFFFFFFFF  }
0xad: {  	[dreg:$0x0] =	wrdreg $0x60  }
0xae: {  	[dreg:$0x2] =	wrdreg s24  }
0xaf: {  	[dreg:$0x3] =	wrdreg s2  }
0xb0: {  	[dreg:$0x4] =	wrdreg $0x9  }
0xb1: {  	_ =	task.clear_ibuf [dreg:s7], $0x5FFFF;
	_ =	strace $0x90000046  }
0xb2: {  	s29 =	simm.s32 $0x9;
	_ =	strace $0x80000048  }
0xb3: {  	_ =	swait.ge [sflag:s29], $0x1  }
0xb4: {  	[sflag:s29] =	ssyncadd.s32 $0xFFFFFFFF  }
0xb5: {  	_ =	strace $0x90000048  }
0xb6: {  	_ =	sfence  }
0xb7: {  	s30 =	sld [smem:$0x0];
	_ =	sdelay $0x2  }
0xb8: {  	s31 =	sshll.u32 s1, $0xD;
	s1 =	sshrl.u32 s1, $0x2  }
0xb9: {  	s3 =	sand.u32 $0x4000, s31;
	s1 =	sadd.s32 s1, s30  }
0xba: {  	s0 =	sor.u32 s3, s0;
	s1 =	sshll.u32 s1, $0x11  }
0xbb: {  	s0 =	sor.u32 s1, s0  }
0xbc: {  	s0 =	sadd.s32 $0x8F2B, s0  }
0xbd: {  	[sflag:s0] =	ssyncadd.remote.s32 $0x1  }
0xbe: {  	_ =	sfence.sel $0xFFFF  }
0xbf: {  	[dreg:$0x0] =	wrdreg $0xFFFFFFFF;
	(pc) =	sbr.abs _section_cstart, $3  }
0xc0: {  	[dreg:$0x1] =	wrdreg $0xFFFFFFFF  }
0xc1: {  	_ =	task.clear_ibuf [dreg:s7], $0x2FFFF;
	_ =	strace $0x9FFFFFFF  }
0xc2: {  	(tm) =	ssettm $0x7FFFFFFF  }
0xc3: {  	_ =	shalt  }
tec
execute0_lowered:
.L_overlay_start_1:
0x0: {  	(tag) =	ssettag $0x1  }
0x1: {  	s0 =	srdreg.scid  }
0x2: {  	s8 =	stileid.u32;
	s4 =	rddreg [dreg:$0x0]  }
0x3: {  	s5 =	rddreg [dreg:$0x1];
	s2 =	simm.s32 $0x0;
	s9 =	simm.s32 $0x4400  }
0x4: {  	s11 =	simm.s32 $0x5400;
	s13 =	simm.s32 $0x6400;
	s28 =	simm.s32 $0x7  }
0x5: {  	s29 =	simm.s32 $0xC;
	s30 =	simm.s32 $0x8;
	s6 =	smul.u32 $0x6800, s8  }
0x6: {  	s0 =	sand.u32 $0x1, s0;
	s1 =	sshll.u32 s8, $0x1;
	s14 =	smul.u32 $0xD0000, s8  }
0x7: {  	[smem:$0x7FF] =	sst s2;
	s3 =	sadd.s32 $0xF42E00, s4;
	s7 =	smul.u32 $0x3400, s0  }
0x8: {  	s1 =	sor.u32 s0, s1;
	s15 =	ssub.s32 $0x2, s0;
	s0 =	smul.u32 $0x68000, s0  }
0x9: {  	s8 =	simm.s32 $0x3400;
	_ =	strace $0x80000047;
	s1 =	smul.u32 $0x3400, s1  }
0xa: {  	s16 =	sshrl.u32 s15, $0x1;
	s6 =	sadd.s32 s7, s6;
	s0 =	sadd.s32 s0, s14  }
0xb: {  	s14 =	simm.s32 $0x7400;
	s1 =	sshrl.u32 s1, $0x3;
	s6 =	sshll.u32 s6, $0x2  }
0xc: {  	s7 =	sor.u32 $0x2000, s0;
	s19 =	sshrl.u32 s0, $0x3;
	s20 =	sor.u32 $0x7000, s0  }
0xd: {  	s24 =	sor.u32 $0x6000, s0;
	s26 =	sor.u32 $0x5000, s0;
	s0 =	sor.u32 $0x4000, s0  }
0xe: {  	s1 =	sadd.s32 s1, s4;
	s6 =	sadd.s32 s6, s5;
	s4 =	ssub.s32 s15, s16  }
0xf: {  	s18 =	sshrl.u32 s7, $0x3;
	s21 =	sadd.s32 s19, s5;
	s22 =	sshrl.u32 s20, $0x3  }
0x10: {  	s25 =	sshrl.u32 s24, $0x3;
	s0 =	sshrl.u32 s0, $0x3;
	s7 =	simm.s32 $0x80  }
0x11: {  	s15 =	simm.s32 $0x1;
	s16 =	simm.s32 $0x8400;
	s19 =	simm.s32 $0x3  }
0x12: {  	s20 =	simm.s32 $0xA400;
	s17 =	sadd.s32 $0x600, s6;
	[dreg:$0x6] =	wrdreg s21  }
0x13: {  	s24 =	simm.s32 $0xA;
	s1 =	sadd.s32 $0xA00, s1;
	[dreg:$0x3] =	wrdreg s17  }
0x14: {  	s6 =	sadd.s32 $0x200, s6;
	s23 =	sadd.s32 s22, s5;
	[dreg:$0xb] =	wrdreg s1  }
0x15: {  	s4 =	smax.u32 s4, $0x1;
	s0 =	sadd.s32 s0, s5;
	[dreg:$0x4] =	wrdreg s6  }
0x16: {  	s21 =	simm.s32 $0x4;
	s22 =	simm.s32 $0x9;
	[dreg:$0x7] =	wrdreg s23  }
0x17: {  	s1 =	sadd.s32 s18, s5;
	s6 =	sshrl.u32 s26, $0x3;
	[dreg:$0xc] =	wrdreg s4  }
0x18: {  	[dreg:$0xa] =	wrdreg s0;
	s17 =	simm.s32 $0x2;
	s18 =	simm.s32 $0x9400  }
0x19: {  	s23 =	simm.s32 $0x5;
	[dreg:$0x5] =	wrdreg s1;
	s1 =	sadd.s32 s25, s5  }
0x1a: {  	s26 =	simm.s32 $0xB;
	s31 =	sadd.s32 s6, s5;
	[dreg:$0x8] =	wrdreg s1  }
0x1b: {  	s4 =	simm.s32 $0x0;
	s25 =	simm.s32 $0x6;
	[dreg:$0x9] =	wrdreg s31  }
.LBB2_1:
0x1c: {  	[dreg:$0xd] =	wrdreg s4  }
0x1d: {  	s0 =	rddreg [dreg:$0xb];
	s5 =	simm.s32 $0x11  }
0x1e: {  	[tilespmem:s2], [sflag:$0x11] =	stream.linear.gather [hbm4b:s0+s2], $0x3400, $0x38;
	[tilespmem:$0xB400] =	vst v63  }
0x1f: {  	_ =	swait.ge [sflag:s5], $0x3400  }
0x20: {  	[sflag:s5] =	ssyncset.done $0x0  }
0x21: {  	[sflag:s5] =	ssyncadd.s32 $0xFFFFCC00  }
0x22: {  	[tilespmem:s8], [sflag:$0x1] =	stream.indirect.gather [hbm4b:s3+s7], $0x20, s2, s7, $0xb8;
	[tilespmem:$0xB400] =	vst v63  }
0x23: {  	p0 =	por $0x1, $0x1  }
0x24: {  	[tilespmem:s9], [sflag:$0x2] =	stream.indirect.gather [hbm4b:s3+s7], $0x20, s7, s7, $0xb8;
	[tilespmem:$0xB400] =	vst v63  }
0x25: {  	s6 =	simm.s32 $0x100;
	p0 =	por p0, p0  }
0x26: {  	[tilespmem:s11], [sflag:$0x3] =	stream.indirect.gather [hbm4b:s3+s7], $0x20, s6, s7, $0xb8;
	[tilespmem:$0xB400] =	vst v63  }
0x27: {  	s10 =	simm.s32 $0x180;
	s4 =	simm.s32 @!p0 $0xD  }
0x28: {  	[tilespmem:s13], [sflag:$0x4] =	stream.indirect.gather [hbm4b:s3+s7], $0x20, s10, s7, $0xb8;
	[tilespmem:$0xB400] =	vst v63  }
0x29: {  	_ =	swait.ge @!p0 [sflag:s4], $0x1000  }
0x2a: {  	[sflag:s4] =	ssyncset.done @!p0 $0x0  }
0x2b: {  	s12 =	simm.s32 $0x200;
	[sflag:s4] =	ssyncadd.s32 @!p0 $0xFFFFF000  }
0x2c: {  	[tilespmem:s14], [sflag:$0x5] =	stream.indirect.gather [hbm4b:s3+s7], $0x20, s12, s7, $0xb8;
	[tilespmem:$0xB400] =	vst v63  }
0x2d: {  	_ =	swait.ge [sflag:s15], $0x1000  }
0x2e: {  	s0 =	rddreg [dreg:$0x6];
	[sflag:s15] =	ssyncset.done $0x0  }
0x2f: {  	s5 =	simm.s32 @!p0 $0xE;
	[sflag:s15] =	ssyncadd.s32 $0xFFFFF000;
	s4 =	sadd.s32 $0x0, s0  }
0x30: {  	[hbm4b:s4+s2] =	stream.linear.scatter [tilespmem:s8], [sflag:$0x9], $0x1000, $0x38;
	[tilespmem:$0xB400] =	vst v63  }
0x31: {  	_ =	swait.ge @!p0 [sflag:s5], $0x1000  }
0x32: {  	[sflag:s5] =	ssyncset.done @!p0 $0x0  }
0x33: {  	s1 =	simm.s32 $0x280;
	[sflag:s5] =	ssyncadd.s32 @!p0 $0xFFFFF000  }
0x34: {  	[tilespmem:s16], [sflag:$0x6] =	stream.indirect.gather [hbm4b:s3+s7], $0x20, s1, s7, $0xb8;
	[tilespmem:$0xB400] =	vst v63  }
0x35: {  	_ =	swait.ge [sflag:s17], $0x1000  }
0x36: {  	s5 =	rddreg [dreg:$0x4];
	[sflag:s17] =	ssyncset.done $0x0  }
0x37: {  	[sflag:s17] =	ssyncadd.s32 $0xFFFFF000;
	s4 =	sadd.s32 $0x0, s5;
	s5 =	simm.s32 @!p0 $0xF  }
0x38: {  	[hbm4b:s4+s2] =	stream.linear.scatter [tilespmem:s9], [sflag:$0xA], $0x1000, $0x38;
	[tilespmem:$0xB400] =	vst v63  }
0x39: {  	_ =	swait.ge @!p0 [sflag:s5], $0x1000  }
0x3a: {  	[sflag:s5] =	ssyncset.done @!p0 $0x0  }
0x3b: {  	s6 =	simm.s32 $0x300;
	[sflag:s5] =	ssyncadd.s32 @!p0 $0xFFFFF000  }
0x3c: {  	[tilespmem:s18], [sflag:$0x7] =	stream.indirect.gather [hbm4b:s3+s7], $0x20, s6, s7, $0xb8;
	[tilespmem:$0xB400] =	vst v63  }
0x3d: {  	_ =	swait.ge [sflag:s19], $0x1000  }
0x3e: {  	s10 =	rddreg [dreg:$0x5];
	[sflag:s19] =	ssyncset.done $0x0  }
0x3f: {  	s5 =	simm.s32 @!p0 $0x10;
	[sflag:s19] =	ssyncadd.s32 $0xFFFFF000;
	s4 =	sadd.s32 $0x0, s10  }
0x40: {  	[hbm4b:s4+s2] =	stream.linear.scatter [tilespmem:s11], [sflag:$0xB], $0x1000, $0x38;
	[tilespmem:$0xB400] =	vst v63  }
0x41: {  	_ =	swait.ge @!p0 [sflag:s5], $0x1000  }
0x42: {  	[sflag:s5] =	ssyncset.done @!p0 $0x0  }
0x43: {  	s12 =	simm.s32 $0x380;
	[sflag:s5] =	ssyncadd.s32 @!p0 $0xFFFFF000  }
0x44: {  	[tilespmem:s20], [sflag:$0x8] =	stream.indirect.gather [hbm4b:s3+s7], $0x20, s12, s7, $0xb8;
	[tilespmem:$0xB400] =	vst v63  }
0x45: {  	_ =	swait.ge [sflag:s21], $0x1000  }
0x46: {  	s0 =	rddreg [dreg:$0x3];
	[sflag:s21] =	ssyncset.done $0x0  }
0x47: {  	[sflag:s21] =	ssyncadd.s32 $0xFFFFF000;
	s4 =	sadd.s32 $0x0, s0  }
0x48: {  	[hbm4b:s4+s2] =	stream.linear.scatter [tilespmem:s13], [sflag:$0xC], $0x1000, $0x38;
	[tilespmem:$0xB400] =	vst v63  }
0x49: {  	p0 =	por $0x0, $0x0;
	_ =	swait.ge [sflag:s22], $0x1000  }
0x4a: {  	s5 =	simm.s32 @!p0 $0x400;
	[sflag:s22] =	ssyncset.done $0x0  }
0x4b: {  	s6 =	simm.s32 @!p0 $0x80;
	s4 =	simm.s32 @!p0 $0x3400;
	[sflag:s22] =	ssyncadd.s32 $0xFFFFF000  }
0x4c: {  	[tilespmem:s4], [sflag:$0x1] =	stream.indirect.gather @!p0 [hbm4b:s3+s6], $0x20, s5, s6, $0xb8;
	[tilespmem:$0xB400] =	vst v63  }
0x4d: {  	_ =	swait.ge [sflag:s23], $0x1000  }
0x4e: {  	s1 =	rddreg [dreg:$0xa];
	[sflag:s23] =	ssyncset.done $0x0  }
0x4f: {  	[sflag:s23] =	ssyncadd.s32 $0xFFFFF000;
	s4 =	sadd.s32 $0x0, s1  }
0x50: {  	[hbm4b:s4+s2] =	stream.linear.scatter [tilespmem:s14], [sflag:$0xD], $0x1000, $0x38;
	[tilespmem:$0xB400] =	vst v63  }
0x51: {  	_ =	swait.ge [sflag:s24], $0x1000  }
0x52: {  	[sflag:s24] =	ssyncset.done $0x0  }
0x53: {  	s5 =	simm.s32 @!p0 $0x4400;
	s4 =	simm.s32 @!p0 $0x480;
	[sflag:s24] =	ssyncadd.s32 $0xFFFFF000  }
0x54: {  	[tilespmem:s5], [sflag:$0x2] =	stream.indirect.gather @!p0 [hbm4b:s3+s6], $0x20, s4, s6, $0xb8;
	[tilespmem:$0xB400] =	vst v63  }
0x55: {  	_ =	swait.ge [sflag:s25], $0x1000  }
0x56: {  	s5 =	rddreg [dreg:$0x9];
	[sflag:s25] =	ssyncset.done $0x0  }
0x57: {  	[sflag:s25] =	ssyncadd.s32 $0xFFFFF000;
	s4 =	sadd.s32 $0x0, s5  }
0x58: {  	[hbm4b:s4+s2] =	stream.linear.scatter [tilespmem:s16], [sflag:$0xE], $0x1000, $0x38;
	[tilespmem:$0xB400] =	vst v63  }
0x59: {  	_ =	swait.ge [sflag:s26], $0x1000  }
0x5a: {  	[sflag:s26] =	ssyncset.done $0x0  }
0x5b: {  	s5 =	simm.s32 @!p0 $0x5400;
	s4 =	simm.s32 @!p0 $0x500;
	[sflag:s26] =	ssyncadd.s32 $0xFFFFF000  }
0x5c: {  	[tilespmem:s5], [sflag:$0x3] =	stream.indirect.gather @!p0 [hbm4b:s3+s6], $0x20, s4, s6, $0xb8;
	[tilespmem:$0xB400] =	vst v63  }
0x5d: {  	_ =	swait.ge [sflag:s28], $0x1000  }
0x5e: {  	s10 =	rddreg [dreg:$0x8];
	[sflag:s28] =	ssyncset.done $0x0  }
0x5f: {  	[sflag:s28] =	ssyncadd.s32 $0xFFFFF000;
	s4 =	sadd.s32 $0x0, s10  }
0x60: {  	[hbm4b:s4+s2] =	stream.linear.scatter [tilespmem:s18], [sflag:$0xF], $0x1000, $0x38;
	[tilespmem:$0xB400] =	vst v63  }
0x61: {  	_ =	swait.ge [sflag:s29], $0x1000  }
0x62: {  	[sflag:s29] =	ssyncset.done $0x0  }
0x63: {  	s5 =	simm.s32 @!p0 $0x6400;
	s4 =	simm.s32 @!p0 $0x580;
	[sflag:s29] =	ssyncadd.s32 $0xFFFFF000  }
0x64: {  	[tilespmem:s5], [sflag:$0x4] =	stream.indirect.gather @!p0 [hbm4b:s3+s6], $0x20, s4, s6, $0xb8;
	[tilespmem:$0xB400] =	vst v63  }
0x65: {  	p6 =	por $0x0, $0x0;
	s4 =	simm.s32 $0x1000;
	_ =	swait.ge [sflag:s30], $0x1000  }
0x66: {  	s5 =	simm.s32 $0x2000;
	s12 =	rddreg [dreg:$0x7];
	[sflag:s30] =	ssyncset.done $0x0  }
0x67: {  	p0 =	por p6, p6;
	[sflag:s30] =	ssyncadd.s32 $0xFFFFF000;
	s31 =	sadd.s32 $0x0, s12  }
.LBB2_2:
0x68: {  	[hbm4b:s31+s2] =	stream.linear.scatter [tilespmem:s20], [sflag:$0x10], $0x1000, $0x38;
	[tilespmem:$0xB400] =	vst v63  }
0x69: {  	s1 =	simm.s32 @!p0 $0xD  }
0x6a: {  	_ =	swait.ge @!p0 [sflag:s1], $0x1000  }
0x6b: {  	s31 =	sshra.s32 s4, $0x2;
	[sflag:s1] =	ssyncset.done @!p0 $0x0  }
0x6c: {  	s0 =	sadd.s32 $0x200, s31;
	[sflag:s1] =	ssyncadd.s32 @!p0 $0xFFFFF000  }
0x6d: {  	[tilespmem:s14], [sflag:$0x5] =	stream.indirect.gather [hbm4b:s3+s7], $0x20, s0, s7, $0xb8;
	[tilespmem:$0xB400] =	vst v63  }
0x6e: {  	_ =	swait.ge [sflag:s15], $0x1000  }
0x6f: {  	s10 =	rddreg [dreg:$0x6];
	[sflag:s15] =	ssyncset.done $0x0  }
0x70: {  	s0 =	simm.s32 @!p0 $0xE;
	[sflag:s15] =	ssyncadd.s32 $0xFFFFF000;
	s1 =	sadd.s32 s4, s10  }
0x71: {  	[hbm4b:s1+s2] =	stream.linear.scatter [tilespmem:s8], [sflag:$0x9], $0x1000, $0x38;
	[tilespmem:$0xB400] =	vst v63  }
0x72: {  	_ =	swait.ge @!p0 [sflag:s0], $0x1000  }
0x73: {  	[sflag:s0] =	ssyncset.done @!p0 $0x0  }
0x74: {  	s12 =	sadd.s32 $0x280, s31;
	[sflag:s0] =	ssyncadd.s32 @!p0 $0xFFFFF000  }
0x75: {  	[tilespmem:s16], [sflag:$0x6] =	stream.indirect.gather [hbm4b:s3+s7], $0x20, s12, s7, $0xb8;
	[tilespmem:$0xB400] =	vst v63  }
0x76: {  	_ =	swait.ge [sflag:s17], $0x1000  }
0x77: {  	s1 =	rddreg [dreg:$0x4];
	[sflag:s17] =	ssyncset.done $0x0  }
0x78: {  	[sflag:s17] =	ssyncadd.s32 $0xFFFFF000;
	s0 =	sadd.s32 s4, s1;
	s1 =	simm.s32 @!p0 $0xF  }
0x79: {  	[hbm4b:s0+s2] =	stream.linear.scatter [tilespmem:s9], [sflag:$0xA], $0x1000, $0x38;
	[tilespmem:$0xB400] =	vst v63  }
0x7a: {  	_ =	swait.ge @!p0 [sflag:s1], $0x1000  }
0x7b: {  	[sflag:s1] =	ssyncset.done @!p0 $0x0  }
0x7c: {  	s10 =	sadd.s32 $0x300, s31;
	[sflag:s1] =	ssyncadd.s32 @!p0 $0xFFFFF000  }
0x7d: {  	[tilespmem:s18], [sflag:$0x7] =	stream.indirect.gather [hbm4b:s3+s7], $0x20, s10, s7, $0xb8;
	[tilespmem:$0xB400] =	vst v63  }
0x7e: {  	_ =	swait.ge [sflag:s19], $0x1000  }
0x7f: {  	s12 =	rddreg [dreg:$0x5];
	[sflag:s19] =	ssyncset.done $0x0  }
0x80: {  	s1 =	simm.s32 @!p0 $0x10;
	[sflag:s19] =	ssyncadd.s32 $0xFFFFF000;
	s0 =	sadd.s32 s4, s12  }
0x81: {  	[hbm4b:s0+s2] =	stream.linear.scatter [tilespmem:s11], [sflag:$0xB], $0x1000, $0x38;
	[tilespmem:$0xB400] =	vst v63  }
0x82: {  	_ =	swait.ge @!p0 [sflag:s1], $0x1000  }
0x83: {  	[sflag:s1] =	ssyncset.done @!p0 $0x0  }
0x84: {  	[sflag:s1] =	ssyncadd.s32 @!p0 $0xFFFFF000;
	s1 =	sadd.s32 $0x380, s31  }
0x85: {  	[tilespmem:s20], [sflag:$0x8] =	stream.indirect.gather [hbm4b:s3+s7], $0x20, s1, s7, $0xb8;
	[tilespmem:$0xB400] =	vst v63  }
0x86: {  	_ =	swait.ge [sflag:s21], $0x1000  }
0x87: {  	s6 =	smov.u32 s5;
	s10 =	rddreg [dreg:$0x3];
	[sflag:s21] =	ssyncset.done $0x0  }
0x88: {  	p2 =	seq.s32 s6, $0x0;
	[sflag:s21] =	ssyncadd.s32 $0xFFFFF000;
	s0 =	sadd.s32 s4, s10  }
0x89: {  	[hbm4b:s0+s2] =	stream.linear.scatter [tilespmem:s13], [sflag:$0xC], $0x1000, $0x38;
	[tilespmem:$0xB400] =	vst v63  }
0x8a: {  	p0 =	por p2, p2;
	p2 =	seq.s32 s4, $0xC000;
	_ =	swait.ge [sflag:s22], $0x1000  }
0x8b: {  	s1 =	simm.s32 @!p2 $0x3400;
	s0 =	sshra.s32 @!p2 s4, $0x2;
	[sflag:s22] =	ssyncset.done $0x0  }
0x8c: {  	s31 =	simm.s32 @!p2 $0x80;
	s10 =	sadd.s32 @!p2 $0x400, s0;
	[sflag:s22] =	ssyncadd.s32 $0xFFFFF000  }
0x8d: {  	[tilespmem:s1], [sflag:$0x1] =	stream.indirect.gather @!p2 [hbm4b:s3+s31], $0x20, s10, s31, $0xb8;
	[tilespmem:$0xB400] =	vst v63  }
0x8e: {  	_ =	swait.ge [sflag:s23], $0x1000  }
0x8f: {  	s12 =	rddreg [dreg:$0xa];
	[sflag:s23] =	ssyncset.done $0x0  }
0x90: {  	[sflag:s23] =	ssyncadd.s32 $0xFFFFF000;
	s12 =	sadd.s32 s4, s12  }
0x91: {  	[hbm4b:s12+s2] =	stream.linear.scatter [tilespmem:s14], [sflag:$0xD], $0x1000, $0x38;
	[tilespmem:$0xB400] =	vst v63  }
0x92: {  	_ =	swait.ge [sflag:s24], $0x1000  }
0x93: {  	[sflag:s24] =	ssyncset.done $0x0  }
0x94: {  	s1 =	sadd.s32 @!p2 $0x480, s0;
	s12 =	simm.s32 @!p2 $0x4400;
	[sflag:s24] =	ssyncadd.s32 $0xFFFFF000  }
0x95: {  	[tilespmem:s12], [sflag:$0x2] =	stream.indirect.gather @!p2 [hbm4b:s3+s31], $0x20, s1, s31, $0xb8;
	[tilespmem:$0xB400] =	vst v63  }
0x96: {  	_ =	swait.ge [sflag:s25], $0x1000  }
0x97: {  	s12 =	rddreg [dreg:$0x9];
	[sflag:s25] =	ssyncset.done $0x0  }
0x98: {  	[sflag:s25] =	ssyncadd.s32 $0xFFFFF000;
	s1 =	sadd.s32 s4, s12  }
0x99: {  	[hbm4b:s1+s2] =	stream.linear.scatter [tilespmem:s16], [sflag:$0xE], $0x1000, $0x38;
	[tilespmem:$0xB400] =	vst v63  }
0x9a: {  	_ =	swait.ge [sflag:s26], $0x1000  }
0x9b: {  	[sflag:s26] =	ssyncset.done $0x0  }
0x9c: {  	s10 =	sadd.s32 @!p2 $0x500, s0;
	s1 =	simm.s32 @!p2 $0x5400;
	[sflag:s26] =	ssyncadd.s32 $0xFFFFF000  }
0x9d: {  	[tilespmem:s1], [sflag:$0x3] =	stream.indirect.gather @!p2 [hbm4b:s3+s31], $0x20, s10, s31, $0xb8;
	[tilespmem:$0xB400] =	vst v63  }
0x9e: {  	_ =	swait.ge [sflag:s28], $0x1000  }
0x9f: {  	s10 =	rddreg [dreg:$0x8];
	[sflag:s28] =	ssyncset.done $0x0  }
0xa0: {  	[sflag:s28] =	ssyncadd.s32 $0xFFFFF000;
	s1 =	sadd.s32 s4, s10  }
0xa1: {  	[hbm4b:s1+s2] =	stream.linear.scatter [tilespmem:s18], [sflag:$0xF], $0x1000, $0x38;
	[tilespmem:$0xB400] =	vst v63  }
0xa2: {  	s5 =	sadd.s32 $0x1000, s5;
	_ =	swait.ge [sflag:s29], $0x1000  }
0xa3: {  	p1 =	sne.s32 s5, $0xD000;
	s0 =	sadd.s32 @!p2 $0x580, s0;
	[sflag:s29] =	ssyncset.done $0x0  }
.Ltmp0:
0xa4: {  	s1 =	simm.s32 @!p2 $0x6400;
	[sflag:s29] =	ssyncadd.s32 $0xFFFFF000;
	(pc) =	sbr.rel @p1 .LBB2_2-.Ltmp0, $4  }
0xa5: {  	[tilespmem:s1], [sflag:$0x4] =	stream.indirect.gather @!p2 [hbm4b:s3+s31], $0x20, s0, s31, $0xb8;
	[tilespmem:$0xB400] =	vst v63  }
0xa6: {  	_ =	swait.ge [sflag:s30], $0x1000  }
0xa7: {  	[sflag:s30] =	ssyncset.done $0x0;
	s12 =	rddreg [dreg:$0x7]  }
0xa8: {  	[sflag:s30] =	ssyncadd.s32 $0xFFFFF000;
	s31 =	sadd.s32 s4, s12;
	s4 =	smov.u32 s6  }
0xa9: {  	[hbm4b:s31+s2] =	stream.linear.scatter [tilespmem:s20], [sflag:$0x10], $0x1000, $0x38;
	[tilespmem:$0xB400] =	vst v63  }
0xaa: {  	s0 =	simm.s32 @!p0 $0xD  }
0xab: {  	_ =	swait.ge @!p0 [sflag:s0], $0x1000  }
0xac: {  	s1 =	sshra.s32 s4, $0x2;
	[sflag:s0] =	ssyncset.done @!p0 $0x0  }
0xad: {  	s31 =	sadd.s32 $0x200, s1;
	[sflag:s0] =	ssyncadd.s32 @!p0 $0xFFFFF000  }
0xae: {  	[tilespmem:s14], [sflag:$0x5] =	stream.indirect.gather [hbm4b:s3+s7], $0x20, s31, s7, $0xb8;
	[tilespmem:$0xB400] =	vst v63  }
0xaf: {  	_ =	swait.ge [sflag:s15], $0x1000  }
0xb0: {  	s5 =	rddreg [dreg:$0x6];
	[sflag:s15] =	ssyncset.done $0x0  }
0xb1: {  	[sflag:s15] =	ssyncadd.s32 $0xFFFFF000;
	s0 =	sadd.s32 s4, s5;
	s5 =	simm.s32 @!p0 $0xE  }
0xb2: {  	[hbm4b:s0+s2] =	stream.linear.scatter [tilespmem:s8], [sflag:$0x9], $0x1000, $0x38;
	[tilespmem:$0xB400] =	vst v63  }
0xb3: {  	_ =	swait.ge @!p0 [sflag:s5], $0x1000  }
0xb4: {  	[sflag:s5] =	ssyncset.done @!p0 $0x0  }
0xb5: {  	s6 =	sadd.s32 $0x280, s1;
	[sflag:s5] =	ssyncadd.s32 @!p0 $0xFFFFF000  }
0xb6: {  	[tilespmem:s16], [sflag:$0x6] =	stream.indirect.gather [hbm4b:s3+s7], $0x20, s6, s7, $0xb8;
	[tilespmem:$0xB400] =	vst v63  }
0xb7: {  	_ =	swait.ge [sflag:s17], $0x1000  }
0xb8: {  	s10 =	rddreg [dreg:$0x4];
	[sflag:s17] =	ssyncset.done $0x0  }
0xb9: {  	s5 =	simm.s32 @!p0 $0xF;
	[sflag:s17] =	ssyncadd.s32 $0xFFFFF000;
	s0 =	sadd.s32 s4, s10  }
0xba: {  	[hbm4b:s0+s2] =	stream.linear.scatter [tilespmem:s9], [sflag:$0xA], $0x1000, $0x38;
	[tilespmem:$0xB400] =	vst v63  }
0xbb: {  	_ =	swait.ge @!p0 [sflag:s5], $0x1000  }
0xbc: {  	[sflag:s5] =	ssyncset.done @!p0 $0x0  }
0xbd: {  	s12 =	sadd.s32 $0x300, s1;
	[sflag:s5] =	ssyncadd.s32 @!p0 $0xFFFFF000  }
0xbe: {  	[tilespmem:s18], [sflag:$0x7] =	stream.indirect.gather [hbm4b:s3+s7], $0x20, s12, s7, $0xb8;
	[tilespmem:$0xB400] =	vst v63  }
0xbf: {  	_ =	swait.ge [sflag:s19], $0x1000  }
0xc0: {  	s31 =	rddreg [dreg:$0x5];
	[sflag:s19] =	ssyncset.done $0x0  }
0xc1: {  	s5 =	simm.s32 @!p0 $0x10;
	[sflag:s19] =	ssyncadd.s32 $0xFFFFF000;
	s0 =	sadd.s32 s4, s31  }
0xc2: {  	[hbm4b:s0+s2] =	stream.linear.scatter [tilespmem:s11], [sflag:$0xB], $0x1000, $0x38;
	[tilespmem:$0xB400] =	vst v63  }
0xc3: {  	_ =	swait.ge @!p0 [sflag:s5], $0x1000  }
0xc4: {  	[sflag:s5] =	ssyncset.done @!p0 $0x0  }
0xc5: {  	[sflag:s5] =	ssyncadd.s32 @!p0 $0xFFFFF000;
	s5 =	sadd.s32 $0x380, s1  }
0xc6: {  	[tilespmem:s20], [sflag:$0x8] =	stream.indirect.gather [hbm4b:s3+s7], $0x20, s5, s7, $0xb8;
	[tilespmem:$0xB400] =	vst v63  }
0xc7: {  	_ =	swait.ge [sflag:s21], $0x1000  }
0xc8: {  	s6 =	rddreg [dreg:$0x3];
	[sflag:s21] =	ssyncset.done $0x0  }
0xc9: {  	[sflag:s21] =	ssyncadd.s32 $0xFFFFF000;
	s0 =	sadd.s32 s4, s6  }
0xca: {  	[hbm4b:s0+s2] =	stream.linear.scatter [tilespmem:s13], [sflag:$0xC], $0x1000, $0x38;
	[tilespmem:$0xB400] =	vst v63  }
0xcb: {  	p0 =	seq.s32 s4, $0xC000;
	_ =	swait.ge [sflag:s22], $0x1000  }
0xcc: {  	s1 =	simm.s32 @!p0 $0x3400;
	s0 =	sshra.s32 @!p0 s4, $0x2;
	[sflag:s22] =	ssyncset.done $0x0  }
0xcd: {  	s6 =	simm.s32 @!p0 $0x80;
	s5 =	sadd.s32 @!p0 $0x400, s0;
	[sflag:s22] =	ssyncadd.s32 $0xFFFFF000  }
0xce: {  	[tilespmem:s1], [sflag:$0x1] =	stream.indirect.gather @!p0 [hbm4b:s3+s6], $0x20, s5, s6, $0xb8;
	[tilespmem:$0xB400] =	vst v63  }
0xcf: {  	_ =	swait.ge [sflag:s23], $0x1000  }
0xd0: {  	s10 =	rddreg [dreg:$0xa];
	[sflag:s23] =	ssyncset.done $0x0  }
0xd1: {  	[sflag:s23] =	ssyncadd.s32 $0xFFFFF000;
	s1 =	sadd.s32 s4, s10  }
0xd2: {  	[hbm4b:s1+s2] =	stream.linear.scatter [tilespmem:s14], [sflag:$0xD], $0x1000, $0x38;
	[tilespmem:$0xB400] =	vst v63  }
0xd3: {  	_ =	swait.ge [sflag:s24], $0x1000  }
0xd4: {  	[sflag:s24] =	ssyncset.done $0x0  }
0xd5: {  	s5 =	simm.s32 @!p0 $0x4400;
	s1 =	sadd.s32 @!p0 $0x480, s0;
	[sflag:s24] =	ssyncadd.s32 $0xFFFFF000  }
0xd6: {  	[tilespmem:s5], [sflag:$0x2] =	stream.indirect.gather @!p0 [hbm4b:s3+s6], $0x20, s1, s6, $0xb8;
	[tilespmem:$0xB400] =	vst v63  }
0xd7: {  	_ =	swait.ge [sflag:s25], $0x1000  }
0xd8: {  	s12 =	rddreg [dreg:$0x9];
	[sflag:s25] =	ssyncset.done $0x0  }
0xd9: {  	[sflag:s25] =	ssyncadd.s32 $0xFFFFF000;
	s1 =	sadd.s32 s4, s12  }
0xda: {  	[hbm4b:s1+s2] =	stream.linear.scatter [tilespmem:s16], [sflag:$0xE], $0x1000, $0x38;
	[tilespmem:$0xB400] =	vst v63  }
0xdb: {  	_ =	swait.ge [sflag:s26], $0x1000  }
0xdc: {  	[sflag:s26] =	ssyncset.done $0x0  }
0xdd: {  	s5 =	simm.s32 @!p0 $0x5400;
	s1 =	sadd.s32 @!p0 $0x500, s0;
	[sflag:s26] =	ssyncadd.s32 $0xFFFFF000  }
0xde: {  	[tilespmem:s5], [sflag:$0x3] =	stream.indirect.gather @!p0 [hbm4b:s3+s6], $0x20, s1, s6, $0xb8;
	[tilespmem:$0xB400] =	vst v63  }
0xdf: {  	_ =	swait.ge [sflag:s28], $0x1000  }
0xe0: {  	s31 =	rddreg [dreg:$0x8];
	[sflag:s28] =	ssyncset.done $0x0  }
0xe1: {  	[sflag:s28] =	ssyncadd.s32 $0xFFFFF000;
	s1 =	sadd.s32 s4, s31  }
0xe2: {  	[hbm4b:s1+s2] =	stream.linear.scatter [tilespmem:s18], [sflag:$0xF], $0x1000, $0x38;
	[tilespmem:$0xB400] =	vst v63  }
0xe3: {  	_ =	swait.ge [sflag:s29], $0x1000  }
0xe4: {  	[sflag:s29] =	ssyncset.done $0x0  }
0xe5: {  	s0 =	sadd.s32 @!p0 $0x580, s0;
	s1 =	simm.s32 @!p0 $0x6400;
	[sflag:s29] =	ssyncadd.s32 $0xFFFFF000  }
0xe6: {  	[tilespmem:s1], [sflag:$0x4] =	stream.indirect.gather @!p0 [hbm4b:s3+s6], $0x20, s0, s6, $0xb8;
	[tilespmem:$0xB400] =	vst v63  }
0xe7: {  	_ =	swait.ge [sflag:s30], $0x1000  }
0xe8: {  	s1 =	rddreg [dreg:$0x7];
	[sflag:s30] =	ssyncset.done $0x0  }
0xe9: {  	s0 =	sadd.s32 s4, s1;
	[sflag:s30] =	ssyncadd.s32 $0xFFFFF000;
	s4 =	simm.s32 $0xD  }
0xea: {  	[hbm4b:s0+s2] =	stream.linear.scatter [tilespmem:s20], [sflag:$0x10], $0x1000, $0x38;
	[tilespmem:$0xB400] =	vst v63  }
0xeb: {  	_ =	swait.ge [sflag:s4], $0x1000  }
0xec: {  	[sflag:s4] =	ssyncset.done $0x0  }
0xed: {  	s5 =	simm.s32 $0xE;
	[sflag:s4] =	ssyncadd.s32 $0xFFFFF000  }
0xee: {  	_ =	swait.ge [sflag:s5], $0x1000  }
0xef: {  	[sflag:s5] =	ssyncset.done $0x0  }
0xf0: {  	s6 =	simm.s32 $0xF;
	[sflag:s5] =	ssyncadd.s32 $0xFFFFF000  }
0xf1: {  	_ =	swait.ge [sflag:s6], $0x1000  }
0xf2: {  	[sflag:s6] =	ssyncset.done $0x0  }
0xf3: {  	s10 =	simm.s32 $0x10;
	[sflag:s6] =	ssyncadd.s32 $0xFFFFF000  }
0xf4: {  	_ =	swait.ge [sflag:s10], $0x1000  }
0xf5: {  	s12 =	rddreg [dreg:$0xd]  }
0xf6: {  	s31 =	rddreg [dreg:$0xc];
	s4 =	sadd.s32 $0x1, s12  }
0xf7: {  	p0 =	sne.s32 s4, s31  }
.Ltmp1:
0xf8: {  	_ = 	snop;
	(pc) =	sbr.rel @p0 .LBB2_1-.Ltmp1, $3  }
0xf9: {  	_ =	sdelay $0x1  }
0xfa: {  	[sflag:s10] =	ssyncset.done $0x0  }
0xfb: {  	[sflag:s10] =	ssyncadd.s32 $0xFFFFF000  }
0xfc: {  	_ =	sfence.sel $0x180000  }
0xfd: {  	[bflag:$0x0] =	sbarrier.arrive $0xFFFF  }
0xfe: {  	_ =	strace $0x90000047  }
0xff: {  	s0 =	stileid.u32;
	[bflag:$0x2] =	sbarrier.arrive $0xFFFF  }
0x100: {  	p0 =	sne.s32 s0, $0x0;
	s0 =	rddreg [dreg:$0x2]  }
0x101: {  	s0 =	sadd.s32 @!p0 $0x100000, s0  }
0x102: {  	[sflag:s0] =	ssyncadd.tile.s32 @!p0 $0x1;
	_ =	shalt  }
.Lfunc_end2:
_tile_overlayer_lowered:
.L_overlay_start_2:
0x103: {  	(tag) =	ssettag $0x2  }
0x104: {  	s0 =	rddreg [dreg:$0x0];
	s2 =	stileid.u32  }
0x105: {  	s1 =	rddreg [dreg:$0x1];
	p0 =	sne.s32 s2, $0x0  }
0x106: {  	s3 =	rddreg [dreg:$0x2];
	[bflag:$0x3] =	sbarrier.arrive $0xFFFF;
	s2 =	simm.s32 @!p0 $0x1C11  }
0x107: {  	[timem:s3], [sflag:s2] =	dma.local @!p0 [hbm:s0], s1  }
0x108: {  	s0 =	simm.s32 @!p0 $0x11  }
0x109: {  	_ =	swait.ge @!p0 [sflag:s0], s1  }
0x10a: {  	s1 =	ssub.s32 @!p0 $0x0, s1;
	[sflag:s0] =	ssyncset.done @!p0 $0x0  }
0x10b: {  	[sflag:s0] =	ssyncadd.s32 @!p0 s1  }
0x10c: {  	[bflag:$0x3] =	sbarrier.arrive $0xFFFF  }
0x10d: {  	_ =	shalt  }

// kernel: sparse-core-data-format-call.cloned.1.call-start
scs
called_computation_lowered:
.L_overlay_start_0:
0x0: {  	s2 =	sld [smem:$0x3FD9]  }
0x1: {  	s3 =	sld [smem:$0x3FFE];
	_ =	sdelay $0x1  }
0x2: {  	s1 =	srdreg.scid  }
0x3: {  	s0 =	sand.u32 $0x1, s1  }
0x4: {  	s18 =	sshll.u32 s0, $0xA;
	s2 =	sadd.s32 s3, s2  }
0x5: {  	s2 =	sadd.s32 s2, s18  }
0x6: {  	[smem:$0x3FC6] =	sst s2  }
0x7: {  	_ = 	snop  }
0x8: {  	s2 =	sld [smem:$0x3FD0];
	(tm) =	ssettm $0x1  }
0x9: {  	s19 =	sld [smem:$0x3FFB];
	_ =	sdelay $0x3  }
0xa: {  	_ =	strace s19  }
0xb: {  	s3 =	sld [smem:$0x3FFC];
	_ =	sdelay $0x3  }
0xc: {  	_ =	strace s3  }
0xd: {  	s3 =	sld [smem:$0x3FFD];
	_ =	sdelay $0x3  }
0xe: {  	_ =	strace s3  }
0xf: {  	_ =	strace $0x8FFFFFFF  }
0x10: {  	s20 =	sld [smem:$0x3FDB];
	_ =	sdelay $0x1  }
0x11: {  	s4 =	simm.s32 $_scs_section_size  }
0x12: {  	s5 =	simm.s32 $_size__tile_overlayer_lowered;
	s6 =	simm.s32 $_tile_overlayer_lowered  }
0x13: {  	s23 =	simm.s32 $0x1BFF;
	s22 =	sshll.u32 s6, $0x1;
	s3 =	sadd.s32 s4, s20  }
0x14: {  	s7 =	simm.s32 $0x0;
	s21 =	sshll.u32 s5, $0x1;
	s5 =	sadd.s32 s22, s3  }
0x15: {  	[timem:s7], [sflag:s23] =	dma.local [hbm:s5], s21  }
0x16: {  	_ =	swait.ge [sflag:s23], s21  }
0x17: {  	s4 =	ssub.s32 $0x0, s21;
	[sflag:s23] =	ssyncset.done $0x0  }
0x18: {  	[sflag:s23] =	ssyncadd.s32 s4;
	_ =	sdelay $0x1  }
0x19: {  	s24 =	simm.s32 $0x1B8B  }
0x1a: {  	_ =	swait.ge [sflag:s24], $0x1  }
0x1b: {  	[sflag:s24] =	ssyncset.done $0x0  }
0x1c: {  	s26 =	simm.s32 $0x1B8E;
	s25 =	sld [smem:$0x3FFE];
	[sflag:s24] =	ssyncadd.s32 $0xFFFFFFFF  }
0x1d: {  	s27 =	simm.s32 $execute0_lowered;
	[smem:$0x3FD2] =	sst s26  }
0x1e: {  	s5 =	sshll.u32 s27, $0x1;
	_ =	strace $0x80000049;
	[dreg:$0x1] =	wrdreg $0xFFFFFFFF  }
0x1f: {  	s28 =	simm.s32 $_size_execute0_lowered;
	s3 =	sadd.s32 s3, s5;
	[dreg:$0x0] =	wrdreg $0x0  }
0x20: {  	s5 =	sshll.u32 s28, $0x1;
	[dreg:$0x2] =	wrdreg s3  }
0x21: {  	[dreg:$0x3] =	wrdreg s5  }
0x22: {  	[dreg:$0x4] =	wrdreg $0xC0  }
0x23: {  	_ =	task [dreg:s7], $0x5FFFF  }
0x24: {  	[dreg:$0x1] =	wrdreg $0xFFFFFFFF  }
0x25: {  	[dreg:$0x0] =	wrdreg $0x60  }
0x26: {  	[dreg:$0x2] =	wrdreg s25  }
0x27: {  	[dreg:$0x3] =	wrdreg s2  }
0x28: {  	[dreg:$0x4] =	wrdreg $0x9  }
0x29: {  	_ =	task.clear_ibuf [dreg:s7], $0x5FFFF;
	_ =	strace $0x90000049  }
0x2a: {  	s29 =	simm.s32 $0x9;
	_ =	strace $0x8000004B  }
0x2b: {  	_ =	swait.ge [sflag:s29], $0x1  }
0x2c: {  	[sflag:s29] =	ssyncadd.s32 $0xFFFFFFFF  }
0x2d: {  	_ =	strace $0x9000004B  }
0x2e: {  	_ =	sfence  }
0x2f: {  	s30 =	sld [smem:$0x0];
	_ =	sdelay $0x2  }
0x30: {  	s31 =	sshll.u32 s1, $0xD;
	s1 =	sshrl.u32 s1, $0x2  }
0x31: {  	s3 =	sand.u32 $0x4000, s31;
	s1 =	sadd.s32 s1, s30  }
0x32: {  	s0 =	sor.u32 s3, s0;
	s1 =	sshll.u32 s1, $0x11  }
0x33: {  	s0 =	sor.u32 s1, s0  }
0x34: {  	s0 =	sadd.s32 $0x8F2B, s0  }
0x35: {  	[sflag:s0] =	ssyncadd.remote.s32 $0x1  }
0x36: {  	_ =	sfence.sel $0xFFFF  }
0x37: {  	[dreg:$0x0] =	wrdreg $0xFFFFFFFF;
	(pc) =	sbr.abs _section_cstart, $3  }
0x38: {  	[dreg:$0x1] =	wrdreg $0xFFFFFFFF  }
0x39: {  	_ =	task.clear_ibuf [dreg:s7], $0x2FFFF;
	_ =	strace $0x9FFFFFFF  }
0x3a: {  	(tm) =	ssettm $0x7FFFFFFF  }
0x3b: {  	_ =	shalt  }
tec
execute0_lowered:
.L_overlay_start_1:
0x0: {  	(tag) =	ssettag $0x1  }
0x1: {  	s0 =	srdreg.scid  }
0x2: {  	s1 =	sshll.u32 s0, $0x4  }
0x3: {  	s0 =	stileid.u32;
	s1 =	sand.u32 $0x10, s1  }
0x4: {  	s1 =	sor.u32 s0, s1  }
0x5: {  	s6 =	rddreg [dreg:$0x0];
	s4 =	simm.s32 $0x1;
	s2 =	sshll.u32 s1, $0x7  }
0x6: {  	s7 =	simm.s32 $0x2;
	s12 =	simm.s32 $0x0;
	s1 =	ssub.s32 $0x4000, s2  }
0x7: {  	s8 =	simm.s32 $0x20000;
	s13 =	simm.s32 $0x0;
	s3 =	sand.u32 $0xF80, s1  }
0x8: {  	s9 =	simm.s32 $0x0;
	s5 =	sshrl.u32 s1, $0xC;
	p0 =	sne.s32 s3, $0x0  }
.Ltmp0:
0x9: {  	s1 =	rddreg [dreg:$0x2];
	s4 =	simm.s32 @!p0 $0x0;
	(pc) =	sbr.rel .LBB1_1-.Ltmp0, $4  }
0xa: {  	s11 =	simm.s32 $0x0;
	s3 =	rddreg [dreg:$0x1];
	s5 =	sadd.s32 s4, s5  }
0xb: {  	_ =	strace $0x8000004A;
	s4 =	simm.s32 $0x1;
	s5 =	smul.u32 $0x1A, s5  }
0xc: {  	s6 =	sadd.s32 $0xA00, s6;
	s10 =	smov.u32 s2;
	[sflag:s4] =	ssyncpa.u1 $0x0  }
0xd: {  	p0 =	por $0x0, $0x0;
	[sflag:s7] =	ssyncpa.u1 $0x0;
	s7 =	sor.u32 $0x1, s5  }
.LBB1_4:
0xe: {  	s16 =	sshll.u32 s13, $0x3;
	s17 =	sand.u32 $0x78, s13  }
0xf: {  	s30 =	sand.u32 $0xF800, s13;
	s12 =	sshll.u32 s12, $0x10;
	s16 =	sand.u32 $0x3C00, s16  }
0x10: {  	s31 =	sand.u32 $0x7, s13;
	s16 =	sor.u32 s17, s16;
	s17 =	sadd.s32 s3, s30  }
0x11: {  	s13 =	sshll.u32 s31, $0x12;
	s16 =	sshrl.u32 s16, $0x3;
	s12 =	sadd.s32 s12, s17  }
0x12: {  	[tilespmem:s15+$0x0 ss:$0x81] =	vst.msk $0xffff, v0;
	s13 =	sor.u32 $0x400, s13;
	s12 =	sadd.s32 s16, s12  }
0x13: {  	[hbm4b:s12+s13] =	stream.strided.scatter [tilespmem:s14], [sflag:$0x2], $0x1000, s8, s13, $0x20;
	[tilespmem:$0x4040] =	vst v63  }
.LBB1_5:
0x14: {  	s14 =	sadd.s32 $0x1, s9  }
0x15: {  	s12 =	sadd.s32 $0x1000, s10;
	s16 =	smov.u32 s10;
	p2 =	sgt.s32 s14, $0x19  }
0x16: {  	s16 =	smov.u32 @p2 s12  }
0x17: {  	s14 =	simm.s32 @p2 $0x0;
	p2 =	sgt.s32 s16, $0x3FFF  }
0x18: {  	s16 =	smov.u32 @p2 s2;
	p2 =	sne.s32 s11, s7  }
.Ltmp1:
0x19: {  	p1 =	slt.u32 s11, $0x2;
	(pc) =	sbr.rel @!p2 .LBB1_6-.Ltmp1, $4  }
0x1a: {  	s15 =	simm.s32 @!p1 $0x2  }
0x1b: {  	s13 =	smov.u32 s10;
	p0 =	por !p0, !p0;
	_ =	swait.ge @!p1 [sflag:s15], $0x1000  }
0x1c: {  	s12 =	smov.u32 s9;
	[sflag:s15] =	ssyncset.done @!p1 $0x0;
	s9 =	smov.u32 s14  }
0x1d: {  	s11 =	sadd.s32 $0x1, s11;
	[sflag:s15] =	ssyncadd.s32 @!p1 $0xFFFFF000;
	s10 =	smov.u32 s16  }
.LBB1_1:
0x1e: {  	p1 =	sge.u32 s11, s5  }
0x1f: {  	s31 =	sadd.s32 $0xFFFFFFFF, s11;
	s14 =	sxor.u32 @!p1 $0xFFFFFFFF, s11  }
0x20: {  	s15 =	sshll.u32 @!p1 s10, $0x9;
	s16 =	sshll.u32 @!p1 s9, $0x4;
	s17 =	simm.s32 @!p1 $0x1000  }
0x21: {  	s14 =	sshll.u32 @!p1 s14, $0xC;
	s16 =	sand.u32 @!p1 $0x1F0, s16;
	s15 =	sadd.s32 @!p1 s6, s15  }
0x22: {  	s14 =	sand.u32 @!p1 $0x1000, s14;
	s15 =	sadd.s32 @!p1 s16, s15;
	s16 =	simm.s32 @!p1 $0x20  }
0x23: {  	[tilespmem:s14], [sflag:$0x1] =	stream.strided.gather @!p1 [hbm4b:s15+s16], $0x1000, s17, s16, $0x38;
	[tilespmem:$0x4040] =	vst v63  }
0x24: {  	p1 =	sge.u32 s31, s5  }
.Ltmp2:
0x25: {  	_ = 	snop;
	(pc) =	sbr.rel @p1 .LBB1_5-.Ltmp2, $1  }
0x26: {  	_ =	sdelay $0x3  }
0x27: {  	s14 =	simm.s32 $0x1  }
0x28: {  	_ =	swait.ge [sflag:s4], $0x1000;
	s14 =	simm.s32 @!p0 $0x0  }
0x29: {  	[sflag:s4] =	ssyncset.done $0x0;
	s15 =	sshll.u32 s14, $0xC  }
0x2a: {  	[sflag:s4] =	ssyncadd.s32 $0xFFFFF000;
	s18 =	sor.u32 $0x10, s15  }
0x2b: {  	s14 =	smul.u32 $0x4080, s14;
	v1 =	vld [tilespmem:s18+$0x0]  }
0x2c: {  	s30 =	sand.u32 $0x1, s11;
	v0 =	vld [tilespmem:s18+$0xFFFFFFF0]  }
0x2d: {  	s15 =	smul.u32 $0x4080, s30;
	s14 =	sshrl.u32 s14, $0x2  }
0x2e: {  	s16 =	sor.u32 $0x2000, s14  }
0x2f: {  	s31 =	sshrl.u32 s15, $0x2;
	s15 =	sadd.s32 $0x0, s16  }
0x30: {  	s17 =	simm.s32 $0x4;
	s18 =	sadd.s32 $0x20, s18;
	s14 =	sor.u32 $0x2000, s31;
	[tilespmem:s15+$0x810 ss:$0x81] =	vst.msk $0xffff, v1  }
.LBB1_3:
0x31: {  	v1 =	vld [tilespmem:s18+$0x0];
	p1 =	sne.s32 s17, $0x1FC;
	[tilespmem:s15+$0x0 ss:$0x81] =	vst.msk $0xffff, v0;
	s15 =	smov.u32 s17;
	s17 =	sadd.s32 $0x4, s17  }
.Ltmp3:
0x32: {  	v0 =	vld [tilespmem:s18+$0xFFFFFFF0];
	(pc) =	sbr.rel @p1 .LBB1_3-.Ltmp3, $4  }
0x33: {  	_ = 	snop  }
0x34: {  	s15 =	sshra.s32 s15, $0x2  }
0x35: {  	s15 =	sadd.s32 s15, s16  }
0x36: {  	s18 =	sadd.s32 $0x20, s18;
	[tilespmem:s15+$0x810 ss:$0x81] =	vst.msk $0xffff, v1  }
.Ltmp4:
0x37: {  	_ = 	snop;
	(pc) =	sbr.rel .LBB1_4-.Ltmp4, $1  }
0x38: {  	_ =	sdelay $0x3  }
.LBB1_6:
0x39: {  	_ =	sfence.sel $0x180000  }
0x3a: {  	s2 =	simm.s32 $0x1;
	[bflag:$0x0] =	sbarrier.arrive $0xFFFF  }
0x3b: {  	s31 =	simm.s32 $0x2;
	[sflag:s2] =	ssyncpa.u1 $0x1  }
0x3c: {  	[sflag:s31] =	ssyncpa.u1 $0x1  }
0x3d: {  	p0 =	sne.s32 s0, $0x0;
	_ =	strace $0x9000004A  }
0x3e: {  	s0 =	sadd.s32 @!p0 $0x100000, s1;
	[bflag:$0x2] =	sbarrier.arrive $0xFFFF  }
0x3f: {  	[sflag:s0] =	ssyncadd.tile.s32 @!p0 $0x1;
	_ =	shalt  }
.Lfunc_end1:
_tile_overlayer_lowered:
.L_overlay_start_2:
0x40: {  	(tag) =	ssettag $0x2  }
0x41: {  	s0 =	rddreg [dreg:$0x0];
	s2 =	stileid.u32  }
0x42: {  	s1 =	rddreg [dreg:$0x1];
	p0 =	sne.s32 s2, $0x0  }
0x43: {  	s3 =	rddreg [dreg:$0x2];
	[bflag:$0x3] =	sbarrier.arrive $0xFFFF;
	s2 =	simm.s32 @!p0 $0x1C01  }
0x44: {  	[timem:s3], [sflag:s2] =	dma.local @!p0 [hbm:s0], s1  }
0x45: {  	s0 =	simm.s32 @!p0 $0x1  }
0x46: {  	_ =	swait.ge @!p0 [sflag:s0], s1  }
0x47: {  	s1 =	ssub.s32 @!p0 $0x0, s1;
	[sflag:s0] =	ssyncset.done @!p0 $0x0  }
0x48: {  	[sflag:s0] =	ssyncadd.s32 @!p0 s1  }
0x49: {  	[bflag:$0x3] =	sbarrier.arrive $0xFFFF  }
0x4a: {  	_ =	shalt  }

</sc_bundles>
